<compile_context>
chip_gen: v7x
topology: tpu7x:2x2x1
jax: 0.10.2.dev20260603
libtpu: 0.0.44.dev20260713+nightly
codegen_flags: <defaults>
</compile_context>

<pallas_src>
import functools

import jax
import jax.numpy as jnp
from jax import lax
from jax.experimental import pallas as pl
from jax.experimental.pallas import tpu as pltpu
from jax.experimental.pallas import tpu_sc as plsc

_PAD = 1
_NC, _NS = 2, 16
_NW = _NC * _NS
_CHUNK = 16
_NBUF = 4


@functools.lru_cache(maxsize=None)
def _build(bsz, seq, vocab, dim):
    b_total = bsz * seq
    b_per_w = b_total // _NW
    n_chunks = b_per_w // _CHUNK
    assert b_per_w * _NW == b_total and n_chunks * _CHUNK == b_per_w
    assert seq % b_per_w == 0 and n_chunks % _NBUF == 0

    w_per_row = seq // b_per_w

    mesh = plsc.VectorSubcoreMesh(
        core_axis_name="c", subcore_axis_name="s",
        num_cores=_NC, num_subcores=_NS,
    )

    @functools.partial(
        pl.kernel,
        out_type=jax.ShapeDtypeStruct((b_total, dim), jnp.float32),
        mesh=mesh,
        scratch_types=[
            pltpu.VMEM((seq,), jnp.int32),
            pltpu.VMEM((b_per_w,), jnp.int32),
        ]
        + [pltpu.VMEM((_CHUNK, dim), jnp.float32) for _ in range(_NBUF)]
        + [pltpu.SemaphoreType.DMA for _ in range(2 * _NBUF)],
        compiler_params=pltpu.CompilerParams(needs_layout_passes=False),
    )
    def sc_all(inp_hbm, table_hbm, out_hbm, row_v, pos_v, *rest):
        bufs = rest[:_NBUF]
        gsems = rest[_NBUF : 2 * _NBUF]
        ssems = rest[2 * _NBUF : 3 * _NBUF]
        wid = lax.axis_index("s") * _NC + lax.axis_index("c")
        base = wid * b_per_w
        row = wid // w_per_row
        s0 = (wid % w_per_row) * b_per_w

        pltpu.sync_copy(inp_hbm.at[pl.ds(row * seq, seq)], row_v)

        def count_step(i, acc):
            off = pl.multiple_of(i * 16, 16)
            x = row_v[pl.ds(off, 16)]
            return acc + jnp.where(x != _PAD, 1, 0).astype(jnp.int32)

        acc = lax.fori_loop(
            0, s0 // 16, count_step, jnp.zeros((16,), jnp.int32)
        )
        prefix0 = jnp.sum(acc)

        def scan_step(i, prefix):
            off = pl.multiple_of(i * 16, 16)
            x = row_v[pl.ds(s0 + off, 16)]
            m = jnp.where(x != _PAD, 1, 0).astype(jnp.int32)
            c = plsc.cumsum(m)
            pos_v[pl.ds(off, 16)] = (prefix + c) * m + _PAD
            return prefix + jnp.sum(m)

        lax.fori_loop(0, b_per_w // 16, scan_step, prefix0)

        def start_g(i, k):
            off = pl.multiple_of(i * _CHUNK, _CHUNK)
            pltpu.async_copy(
                table_hbm.at[pos_v.at[pl.ds(off, _CHUNK)]], bufs[k], gsems[k]
            )

        def start_s(i, k):
            off = pl.multiple_of(i * _CHUNK, _CHUNK)
            pltpu.async_copy(
                bufs[k], out_hbm.at[pl.ds(base + off, _CHUNK)], ssems[k]
            )

        def wait_g(k):
            pltpu.make_async_copy(
                table_hbm.at[pos_v.at[pl.ds(0, _CHUNK)]], bufs[k], gsems[k]
            ).wait()

        def wait_s(k):
            pltpu.make_async_copy(
                bufs[k], out_hbm.at[pl.ds(base, _CHUNK)], ssems[k]
            ).wait()

        n_groups = n_chunks // _NBUF
        for k in range(_NBUF):
            start_g(k, k)

        def group(g, _):
            i0 = g * _NBUF
            for k in range(_NBUF):
                wait_g(k)
                start_s(i0 + k, k)
            for k in range(_NBUF):
                wait_s(k)

                @pl.when(g + 1 < n_groups)
                def _(k=k, i0=i0):
                    start_g(i0 + _NBUF + k, k)

            return 0

        lax.fori_loop(0, n_groups, group, 0)

    def run(inp, weights):
        flat = sc_all(inp.reshape(b_total), weights)
        return flat.reshape(bsz, seq, dim)

    return run


@jax.jit
def kernel(input, weights):
    bsz, seq = input.shape
    vocab, dim = weights.shape
    run = _build(bsz, seq, vocab, dim)
    return run(input.astype(jnp.int32), weights.astype(jnp.float32))

# --- scband reference (transcript-rebuilt; emitter-appended) ---
"""Pipeline reference for scband-sinusoidal-positional-embedding-75634374082913 (READ-ONLY COPY).

The authoritative reference and input builder live on the scoring server;
editing this copy changes nothing except your own understanding.
"""

import jax, jax.numpy as jnp
import numpy as np
import math

EMB_DIM = 1024
PAD_IDX = 1
BATCH = 4
SEQ_LEN = 8192
INIT_SIZE = PAD_IDX + 1 + SEQ_LEN  # 8194, sized so no auto-expand needed


def get_embedding(num_embeddings, embedding_dim, padding_idx):
    half_dim = embedding_dim // 2
    emb_scale = math.log(10000) / (half_dim - 1)
    emb = jnp.exp(jnp.arange(half_dim, dtype=jnp.float32) * -emb_scale)
    emb = jnp.arange(num_embeddings, dtype=jnp.float32)[:, None] * emb[None, :]
    emb = jnp.concatenate([jnp.sin(emb), jnp.cos(emb)], axis=1).reshape(num_embeddings, -1)
    if embedding_dim % 2 == 1:
        emb = jnp.concatenate([emb, jnp.zeros((num_embeddings, 1), dtype=jnp.float32)], axis=1)
    if padding_idx is not None:
        emb = emb.at[padding_idx, :].set(0.0)
    return emb


def make_positions(tensor, padding_idx):
    # fairseq make_positions: positions count non-pad tokens, offset by padding_idx
    mask = (tensor != padding_idx).astype(jnp.int32)
    return (jnp.cumsum(mask, axis=1) * mask) + padding_idx


def setup_inputs(seed: int = 0) -> dict:
    key = jax.random.key(seed)
    inp = jax.random.randint(key, (BATCH, SEQ_LEN), 0, 50000)
    weights = get_embedding(INIT_SIZE, EMB_DIM, PAD_IDX)
    return {"input": inp, "weights": weights}


def reference(input, weights):
    bsz, seq_len = input.shape
    # isIncrementalStateNone=True path: position-based gather from sinusoidal table
    positions = make_positions(input, PAD_IDX)
    flat = jnp.take(weights, positions.reshape(-1), axis=0)
    return flat.reshape(bsz, seq_len, -1)

if __name__ == "__main__":
    import jax
    _d = setup_inputs()
    print(jax.jit(kernel)(*tuple(_d.values())))

</pallas_src>

<mosaic_0001>
#map = affine_map<(d0, d1) -> (0)>
#map1 = affine_map<(d0, d1) -> (0, 0)>
module attributes {stable_mosaic.version = 14 : i64} {
  func.func @sc_all(%arg0: i32, %arg1: i32, %arg2: memref<32768xi32, #tpu.memory_space<hbm>>, %arg3: memref<8194x1024xf32, #tpu.memory_space<hbm>>, %arg4: memref<32768x1024xf32, #tpu.memory_space<hbm>>, %arg5: memref<8192xi32, #tpu.memory_space<vmem>>, %arg6: memref<1024xi32, #tpu.memory_space<vmem>>, %arg7: memref<16x1024xf32, #tpu.memory_space<vmem>>, %arg8: memref<16x1024xf32, #tpu.memory_space<vmem>>, %arg9: memref<16x1024xf32, #tpu.memory_space<vmem>>, %arg10: memref<16x1024xf32, #tpu.memory_space<vmem>>, %arg11: memref<!tpu.dma_semaphore, #tpu.memory_space<semaphore_mem>>, %arg12: memref<!tpu.dma_semaphore, #tpu.memory_space<semaphore_mem>>, %arg13: memref<!tpu.dma_semaphore, #tpu.memory_space<semaphore_mem>>, %arg14: memref<!tpu.dma_semaphore, #tpu.memory_space<semaphore_mem>>, %arg15: memref<!tpu.dma_semaphore, #tpu.memory_space<semaphore_mem>>, %arg16: memref<!tpu.dma_semaphore, #tpu.memory_space<semaphore_mem>>, %arg17: memref<!tpu.dma_semaphore, #tpu.memory_space<semaphore_mem>>, %arg18: memref<!tpu.dma_semaphore, #tpu.memory_space<semaphore_mem>>) attributes {dimension_semantics = [#tpu.dimension_semantics<core_parallel>, #tpu.dimension_semantics<subcore_parallel>], iteration_bounds = array<i64: 2, 16>, scalar_prefetch = 0 : i64, scratch_operands = 14 : i64, tpu.core_type = #tpu.core_type<sc_vector_subcore>, window_params = [{transform_indices = #map}, {transform_indices = #map1}, {transform_indices = #map1}]} {
    %mul3A = arith.constant 2 : i32
    %mul3A_0 = arith.muli %arg1, %mul3A : i32
    %add3A = arith.addi %mul3A_0, %arg0 : i32
    %mul3A_1 = arith.constant 1024 : i32
    %mul3A_2 = arith.muli %add3A, %mul3A_1 : i32
    %jit3A = arith.constant 8 : i32
    %div3A = arith.divsi %add3A, %jit3A : i32
    %sign3A = arith.constant 0 : i32
    %sign3A_3 = arith.cmpi sgt, %add3A, %sign3A : i32
    %sign3A_4 = arith.extui %sign3A_3 : i1 to i32
    %sign3A_5 = arith.constant 0 : i32
    %sign3A_6 = arith.cmpi slt, %add3A, %sign3A_5 : i32
    %sign3A_7 = arith.extui %sign3A_6 : i1 to i32
    %sign3A_8 = arith.subi %sign3A_4, %sign3A_7 : i32
    %sign3A_9 = arith.constant 0 : i32
    %sign3A_10 = arith.cmpi sgt, %jit3A, %sign3A_9 : i32
    %sign3A_11 = arith.extui %sign3A_10 : i1 to i32
    %sign3A_12 = arith.constant 0 : i32
    %sign3A_13 = arith.cmpi slt, %jit3A, %sign3A_12 : i32
    %sign3A_14 = arith.extui %sign3A_13 : i1 to i32
    %sign3A_15 = arith.subi %sign3A_11, %sign3A_14 : i32
    %ne3A = arith.cmpi ne, %sign3A_8, %sign3A_15 : i32
    %rem3A = arith.remsi %add3A, %jit3A : i32
    %ne3A_16 = arith.constant 0 : i32
    %ne3A_17 = arith.cmpi ne, %rem3A, %ne3A_16 : i32
    %and3A = arith.andi %ne3A, %ne3A_17 : i1
    %sub3A = arith.constant 1 : i32
    %sub3A_18 = arith.subi %div3A, %sub3A : i32
    %select_n3A = arith.select %and3A, %sub3A_18, %div3A : i32
    %jit3A_19 = arith.constant 8 : i32
    %eq3A = arith.constant 0 : i32
    %eq3A_20 = arith.cmpi eq, %jit3A_19, %eq3A : i32
    %jit3A_21 = arith.constant 1 : i32
    %select_n3A_22 = arith.select %eq3A_20, %jit3A_21, %jit3A_19 : i32
    %rem3A_23 = arith.remsi %add3A, %select_n3A_22 : i32
    %ne3A_24 = arith.constant 0 : i32
    %ne3A_25 = arith.cmpi ne, %rem3A_23, %ne3A_24 : i32
    %lt3A = arith.constant 0 : i32
    %lt3A_26 = arith.cmpi slt, %rem3A_23, %lt3A : i32
    %lt3A_27 = arith.constant 0 : i32
    %lt3A_28 = arith.cmpi slt, %select_n3A_22, %lt3A_27 : i32
    %ne3A_29 = arith.xori %lt3A_26, %lt3A_28 : i1
    %and3A_30 = arith.andi %ne3A_29, %ne3A_25 : i1
    %add3A_31 = arith.addi %rem3A_23, %select_n3A_22 : i32
    %select_n3A_32 = arith.select %and3A_30, %add3A_31, %rem3A_23 : i32
    %mul3A_33 = arith.constant 1024 : i32
    %mul3A_34 = arith.muli %select_n3A_32, %mul3A_33 : i32
    %mul3A_35 = arith.constant 8192 : i32
    %mul3A_36 = arith.muli %select_n3A, %mul3A_35 : i32
    "tpu.region"() ({
      %run_scoped3A = tpu.sem_alloc : memref<!tpu.dma_semaphore, #tpu.memory_space<semaphore_mem>>
      %dma_start3A_109 = tpu.memref_slice %arg2[%mul3A_36] : memref<32768xi32, #tpu.memory_space<hbm>> -> memref<8192xi32, #tpu.memory_space<hbm>>
      %dma_start3A_110 = tpu.memref_slice %arg2[%mul3A_36] : memref<32768xi32, #tpu.memory_space<hbm>> -> memref<8192xi32, #tpu.memory_space<hbm>>
      tpu.enqueue_dma source(%dma_start3A_110 : memref<8192xi32, #tpu.memory_space<hbm>>) target(%arg5 : memref<8192xi32, #tpu.memory_space<vmem>>) target_semaphore(%run_scoped3A : memref<!tpu.dma_semaphore, #tpu.memory_space<semaphore_mem>>)
      %dma_wait3A = tpu.memref_slice %arg2[%mul3A_36] : memref<32768xi32, #tpu.memory_space<hbm>> -> memref<8192xi32, #tpu.memory_space<hbm>>
      %dma_wait3A_111 = tpu.memref_slice %arg2[%mul3A_36] : memref<32768xi32, #tpu.memory_space<hbm>> -> memref<8192xi32, #tpu.memory_space<hbm>>
      tpu.wait_dma2 semaphore(%run_scoped3A : memref<!tpu.dma_semaphore, #tpu.memory_space<semaphore_mem>>) src(%dma_wait3A_111 : memref<8192xi32, #tpu.memory_space<hbm>>) dst(%arg5 : memref<8192xi32, #tpu.memory_space<vmem>>)
      tpu.yield
    }) : () -> ()
    %jit3A_37 = arith.constant 16 : i32
    %div3A_38 = arith.divsi %mul3A_34, %jit3A_37 : i32
    %sign3A_39 = arith.constant 0 : i32
    %sign3A_40 = arith.cmpi sgt, %mul3A_34, %sign3A_39 : i32
    %sign3A_41 = arith.extui %sign3A_40 : i1 to i32
    %sign3A_42 = arith.constant 0 : i32
    %sign3A_43 = arith.cmpi slt, %mul3A_34, %sign3A_42 : i32
    %sign3A_44 = arith.extui %sign3A_43 : i1 to i32
    %sign3A_45 = arith.subi %sign3A_41, %sign3A_44 : i32
    %sign3A_46 = arith.constant 0 : i32
    %sign3A_47 = arith.cmpi sgt, %jit3A_37, %sign3A_46 : i32
    %sign3A_48 = arith.extui %sign3A_47 : i1 to i32
    %sign3A_49 = arith.constant 0 : i32
    %sign3A_50 = arith.cmpi slt, %jit3A_37, %sign3A_49 : i32
    %sign3A_51 = arith.extui %sign3A_50 : i1 to i32
    %sign3A_52 = arith.subi %sign3A_48, %sign3A_51 : i32
    %ne3A_53 = arith.cmpi ne, %sign3A_45, %sign3A_52 : i32
    %rem3A_54 = arith.remsi %mul3A_34, %jit3A_37 : i32
    %ne3A_55 = arith.constant 0 : i32
    %ne3A_56 = arith.cmpi ne, %rem3A_54, %ne3A_55 : i32
    %and3A_57 = arith.andi %ne3A_53, %ne3A_56 : i1
    %sub3A_58 = arith.constant 1 : i32
    %sub3A_59 = arith.subi %div3A_38, %sub3A_58 : i32
    %select_n3A_60 = arith.select %and3A_57, %sub3A_59, %div3A_38 : i32
    %broadcast_in_dim3A = arith.constant 0 : i32
    %broadcast_in_dim3A_61 = vector.broadcast %broadcast_in_dim3A : i32 to vector<16xi32>
    %while3A = arith.constant 0 : i32
    %while3A_62 = arith.subi %select_n3A_60, %while3A : i32
    %while3A_63 = arith.addi %while3A, %while3A_62 : i32
    %while3A_64 = arith.constant 1 : i32
    %while3A_65 = arith.divsi %while3A_62, %while3A_64 : i32
    %while3A_66 = arith.muli %while3A_65, %while3A_64 : i32
    %while3A_67 = arith.addi %while3A, %while3A_66 : i32
    %while3A_68 = arith.constant 1 : i32
    %while3A_69 = scf.for %while3A_109 = %while3A to %while3A_67 step %while3A_68 iter_args(%while3A_110 = %broadcast_in_dim3A_61) -> (vector<16xi32>)  : i32 {
      %mul3A_111 = arith.constant 16 : i32
      %mul3A_112 = arith.muli %while3A_109, %mul3A_111 : i32
      %multiple_of3A_113 = tpu.assume_multiple %mul3A_112, 16 : i32
      %get3A = arith.index_cast %multiple_of3A_113 : i32 to index
      %get3A_114 = tpu.vector_load %arg5[%get3A] {strides = array<i32>} : memref<8192xi32, #tpu.memory_space<vmem>>, vector<16xi32>,
      %ne3A_115 = arith.constant 1 : i32
      %ne3A_116 = vector.broadcast %ne3A_115 : i32 to vector<16xi32>
      %ne3A_117 = arith.cmpi ne, %get3A_114, %ne3A_116 : vector<16xi32>
      %jit3A_118 = arith.constant 1 : i32
      %jit3A_119 = arith.constant 0 : i32
      %broadcast_in_dim3A_120 = vector.broadcast %jit3A_118 : i32 to vector<16xi32>
      %broadcast_in_dim3A_121 = vector.broadcast %jit3A_119 : i32 to vector<16xi32>
      %select_n3A_122 = arith.select %ne3A_117, %broadcast_in_dim3A_120, %broadcast_in_dim3A_121 : vector<16xi1>, vector<16xi32>
      %add3A_123 = arith.addi %while3A_110, %select_n3A_122 : vector<16xi32>
      scf.yield %add3A_123 : vector<16xi32>
    }
    %while3A_70 = arith.constant 1 : i32
    %while3A_71 = scf.for %while3A_109 = %while3A_67 to %while3A_63 step %while3A_70 iter_args(%while3A_110 = %while3A_69) -> (vector<16xi32>)  : i32 {
      %mul3A_111 = arith.constant 16 : i32
      %mul3A_112 = arith.muli %while3A_109, %mul3A_111 : i32
      %multiple_of3A_113 = tpu.assume_multiple %mul3A_112, 16 : i32
      %get3A = arith.index_cast %multiple_of3A_113 : i32 to index
      %get3A_114 = tpu.vector_load %arg5[%get3A] {strides = array<i32>} : memref<8192xi32, #tpu.memory_space<vmem>>, vector<16xi32>,
      %ne3A_115 = arith.constant 1 : i32
      %ne3A_116 = vector.broadcast %ne3A_115 : i32 to vector<16xi32>
      %ne3A_117 = arith.cmpi ne, %get3A_114, %ne3A_116 : vector<16xi32>
      %jit3A_118 = arith.constant 1 : i32
      %jit3A_119 = arith.constant 0 : i32
      %broadcast_in_dim3A_120 = vector.broadcast %jit3A_118 : i32 to vector<16xi32>
      %broadcast_in_dim3A_121 = vector.broadcast %jit3A_119 : i32 to vector<16xi32>
      %select_n3A_122 = arith.select %ne3A_117, %broadcast_in_dim3A_120, %broadcast_in_dim3A_121 : vector<16xi1>, vector<16xi32>
      %add3A_123 = arith.addi %while3A_110, %select_n3A_122 : vector<16xi32>
      scf.yield %add3A_123 : vector<16xi32>
    }
    %reduce_sum3A = arith.constant true
    %reduce_sum3A_72 = vector.broadcast %reduce_sum3A : i1 to vector<16xi1>
    %reduce_sum3A_73 = tpu.scan <sum>, %while3A_71 masked %reduce_sum3A_72 : vector<16xi32>, vector<16xi1> -> vector<16xi32>
    %reduce_sum3A_74 = vector.extract %reduce_sum3A_73[15] : i32 from vector<16xi32>
    %scan3A = arith.constant 0 : i32
    %scan3A_75 = arith.constant 64 : i32
    %scan3A_76 = arith.addi %scan3A, %scan3A_75 : i32
    %scan3A_77 = arith.constant 1 : i32
    %scan3A_78 = scf.for %scan3A_109 = %scan3A to %scan3A_76 step %scan3A_77 iter_args(%scan3A_110 = %reduce_sum3A_74) -> (i32)  : i32 {
      %mul3A_111 = arith.constant 16 : i32
      %mul3A_112 = arith.muli %scan3A_109, %mul3A_111 : i32
      %multiple_of3A_113 = tpu.assume_multiple %mul3A_112, 16 : i32
      %add3A_114 = arith.addi %mul3A_34, %multiple_of3A_113 : i32
      %get3A = arith.index_cast %add3A_114 : i32 to index
      %get3A_115 = tpu.vector_load %arg5[%get3A] {strides = array<i32>} : memref<8192xi32, #tpu.memory_space<vmem>>, vector<16xi32>,
      %ne3A_116 = arith.constant 1 : i32
      %ne3A_117 = vector.broadcast %ne3A_116 : i32 to vector<16xi32>
      %ne3A_118 = arith.cmpi ne, %get3A_115, %ne3A_117 : vector<16xi32>
      %jit3A_119 = arith.constant 1 : i32
      %jit3A_120 = arith.constant 0 : i32
      %broadcast_in_dim3A_121 = vector.broadcast %jit3A_119 : i32 to vector<16xi32>
      %broadcast_in_dim3A_122 = vector.broadcast %jit3A_120 : i32 to vector<16xi32>
      %select_n3A_123 = arith.select %ne3A_118, %broadcast_in_dim3A_121, %broadcast_in_dim3A_122 : vector<16xi1>, vector<16xi32>
      %broadcast_in_dim3A_124 = arith.constant true
      %broadcast_in_dim3A_125 = vector.broadcast %broadcast_in_dim3A_124 : i1 to vector<16xi1>
      %masked_cumsum3A = tpu.scan <sum>, %select_n3A_123 masked %broadcast_in_dim3A_125 : vector<16xi32>, vector<16xi1> -> vector<16xi32>
      %add3A_126 = vector.broadcast %scan3A_110 : i32 to vector<16xi32>
      %add3A_127 = arith.addi %add3A_126, %masked_cumsum3A : vector<16xi32>
      %mul3A_128 = arith.muli %add3A_127, %select_n3A_123 : vector<16xi32>
      %add3A_129 = arith.constant 1 : i32
      %add3A_130 = vector.broadcast %add3A_129 : i32 to vector<16xi32>
      %add3A_131 = arith.addi %mul3A_128, %add3A_130 : vector<16xi32>
      %swap3A = arith.index_cast %multiple_of3A_113 : i32 to index
      %swap3A_132 = tpu.vector_load %arg6[%swap3A] {strides = array<i32>} : memref<1024xi32, #tpu.memory_space<vmem>>, vector<16xi32>,
      tpu.vector_store %arg6[%swap3A], %add3A_131 {strides = array<i32>} : memref<1024xi32, #tpu.memory_space<vmem>>, vector<16xi32>,
      %reduce_sum3A_133 = arith.constant true
      %reduce_sum3A_134 = vector.broadcast %reduce_sum3A_133 : i1 to vector<16xi1>
      %reduce_sum3A_135 = tpu.scan <sum>, %select_n3A_123 masked %reduce_sum3A_134 : vector<16xi32>, vector<16xi1> -> vector<16xi32>
      %reduce_sum3A_136 = vector.extract %reduce_sum3A_135[15] : i32 from vector<16xi32>
      %add3A_137 = arith.addi %scan3A_110, %reduce_sum3A_136 : i32
      scf.yield %add3A_137 : i32
    }
    %scan3A_79 = arith.constant 64 : i32
    %multiple_of3A = arith.constant 0 : i32
    %multiple_of3A_80 = tpu.assume_multiple %multiple_of3A, 16 : i32
    %dma_start3A = tpu.memref_slice %arg6[%multiple_of3A_80] : memref<1024xi32, #tpu.memory_space<vmem>> -> memref<16xi32, #tpu.memory_space<vmem>>
    %dma_start3A_81 = arith.constant 0 : i32
    %dma_start3A_82 = arith.constant 0 : i32
    %dma_start3A_83 = tpu.memref_slice %arg3[%dma_start3A_81, %dma_start3A_82] : memref<8194x1024xf32, #tpu.memory_space<hbm>> -> memref<8194x1024xf32, #tpu.memory_space<hbm>>
    tpu.enqueue_indirect_dma source(%dma_start3A_83 : memref<8194x1024xf32, #tpu.memory_space<hbm>>) target(%arg7 : memref<16x1024xf32, #tpu.memory_space<vmem>>) offsets(%dma_start3A : memref<16xi32, #tpu.memory_space<vmem>>) semaphore(%arg11 : memref<!tpu.dma_semaphore, #tpu.memory_space<semaphore_mem>>)
    %multiple_of3A_84 = arith.constant 16 : i32
    %multiple_of3A_85 = tpu.assume_multiple %multiple_of3A_84, 16 : i32
    %dma_start3A_86 = tpu.memref_slice %arg6[%multiple_of3A_85] : memref<1024xi32, #tpu.memory_space<vmem>> -> memref<16xi32, #tpu.memory_space<vmem>>
    %dma_start3A_87 = arith.constant 0 : i32
    %dma_start3A_88 = arith.constant 0 : i32
    %dma_start3A_89 = tpu.memref_slice %arg3[%dma_start3A_87, %dma_start3A_88] : memref<8194x1024xf32, #tpu.memory_space<hbm>> -> memref<8194x1024xf32, #tpu.memory_space<hbm>>
    tpu.enqueue_indirect_dma source(%dma_start3A_89 : memref<8194x1024xf32, #tpu.memory_space<hbm>>) target(%arg8 : memref<16x1024xf32, #tpu.memory_space<vmem>>) offsets(%dma_start3A_86 : memref<16xi32, #tpu.memory_space<vmem>>) semaphore(%arg12 : memref<!tpu.dma_semaphore, #tpu.memory_space<semaphore_mem>>)
    %multiple_of3A_90 = arith.constant 32 : i32
    %multiple_of3A_91 = tpu.assume_multiple %multiple_of3A_90, 16 : i32
    %dma_start3A_92 = tpu.memref_slice %arg6[%multiple_of3A_91] : memref<1024xi32, #tpu.memory_space<vmem>> -> memref<16xi32, #tpu.memory_space<vmem>>
    %dma_start3A_93 = arith.constant 0 : i32
    %dma_start3A_94 = arith.constant 0 : i32
    %dma_start3A_95 = tpu.memref_slice %arg3[%dma_start3A_93, %dma_start3A_94] : memref<8194x1024xf32, #tpu.memory_space<hbm>> -> memref<8194x1024xf32, #tpu.memory_space<hbm>>
    tpu.enqueue_indirect_dma source(%dma_start3A_95 : memref<8194x1024xf32, #tpu.memory_space<hbm>>) target(%arg9 : memref<16x1024xf32, #tpu.memory_space<vmem>>) offsets(%dma_start3A_92 : memref<16xi32, #tpu.memory_space<vmem>>) semaphore(%arg13 : memref<!tpu.dma_semaphore, #tpu.memory_space<semaphore_mem>>)
    %multiple_of3A_96 = arith.constant 48 : i32
    %multiple_of3A_97 = tpu.assume_multiple %multiple_of3A_96, 16 : i32
    %dma_start3A_98 = tpu.memref_slice %arg6[%multiple_of3A_97] : memref<1024xi32, #tpu.memory_space<vmem>> -> memref<16xi32, #tpu.memory_space<vmem>>
    %dma_start3A_99 = arith.constant 0 : i32
    %dma_start3A_100 = arith.constant 0 : i32
    %dma_start3A_101 = tpu.memref_slice %arg3[%dma_start3A_99, %dma_start3A_100] : memref<8194x1024xf32, #tpu.memory_space<hbm>> -> memref<8194x1024xf32, #tpu.memory_space<hbm>>
    tpu.enqueue_indirect_dma source(%dma_start3A_101 : memref<8194x1024xf32, #tpu.memory_space<hbm>>) target(%arg10 : memref<16x1024xf32, #tpu.memory_space<vmem>>) offsets(%dma_start3A_98 : memref<16xi32, #tpu.memory_space<vmem>>) semaphore(%arg14 : memref<!tpu.dma_semaphore, #tpu.memory_space<semaphore_mem>>)
    %scan3A_102 = arith.constant 0 : i32
    %scan3A_103 = arith.constant 0 : i32
    %scan3A_104 = arith.constant 16 : i32
    %scan3A_105 = arith.addi %scan3A_103, %scan3A_104 : i32
    %scan3A_106 = arith.constant 1 : i32
    %scan3A_107 = scf.for %scan3A_109 = %scan3A_103 to %scan3A_105 step %scan3A_106 iter_args(%scan3A_110 = %scan3A_102) -> (i32)  : i32 {
      %mul3A_111 = arith.constant 4 : i32
      %mul3A_112 = arith.muli %scan3A_109, %mul3A_111 : i32
      %dma_wait3A = arith.constant 0 : i32
      %dma_wait3A_113 = tpu.memref_slice %arg6[%dma_wait3A] : memref<1024xi32, #tpu.memory_space<vmem>> -> memref<16xi32, #tpu.memory_space<vmem>>
      %dma_wait3A_114 = arith.constant 0 : i32
      %dma_wait3A_115 = arith.constant 0 : i32
      %dma_wait3A_116 = tpu.memref_slice %arg3[%dma_wait3A_114, %dma_wait3A_115] : memref<8194x1024xf32, #tpu.memory_space<hbm>> -> memref<8194x1024xf32, #tpu.memory_space<hbm>>
      tpu.wait_indirect_dma semaphore(%arg11 : memref<!tpu.dma_semaphore, #tpu.memory_space<semaphore_mem>>) src(%dma_wait3A_116 : memref<8194x1024xf32, #tpu.memory_space<hbm>>) dst(%arg7 : memref<16x1024xf32, #tpu.memory_space<vmem>>)
      %add3A_117 = arith.constant 0 : i32
      %add3A_118 = arith.addi %mul3A_112, %add3A_117 : i32
      %mul3A_119 = arith.constant 16 : i32
      %mul3A_120 = arith.muli %add3A_118, %mul3A_119 : i32
      %multiple_of3A_121 = tpu.assume_multiple %mul3A_120, 16 : i32
      %add3A_122 = arith.addi %mul3A_2, %multiple_of3A_121 : i32
      %dma_start3A_123 = arith.constant 0 : i32
      %dma_start3A_124 = tpu.memref_slice %arg4[%add3A_122, %dma_start3A_123] : memref<32768x1024xf32, #tpu.memory_space<hbm>> -> memref<16x1024xf32, #tpu.memory_space<hbm>>
      %dma_start3A_125 = arith.constant 0 : i32
      %dma_start3A_126 = tpu.memref_slice %arg4[%add3A_122, %dma_start3A_125] : memref<32768x1024xf32, #tpu.memory_space<hbm>> -> memref<16x1024xf32, #tpu.memory_space<hbm>>
      tpu.enqueue_dma source(%arg7 : memref<16x1024xf32, #tpu.memory_space<vmem>>) target(%dma_start3A_126 : memref<16x1024xf32, #tpu.memory_space<hbm>>) target_semaphore(%arg15 : memref<!tpu.dma_semaphore, #tpu.memory_space<semaphore_mem>>)
      %dma_wait3A_127 = arith.constant 0 : i32
      %dma_wait3A_128 = tpu.memref_slice %arg6[%dma_wait3A_127] : memref<1024xi32, #tpu.memory_space<vmem>> -> memref<16xi32, #tpu.memory_space<vmem>>
      %dma_wait3A_129 = arith.constant 0 : i32
      %dma_wait3A_130 = arith.constant 0 : i32
      %dma_wait3A_131 = tpu.memref_slice %arg3[%dma_wait3A_129, %dma_wait3A_130] : memref<8194x1024xf32, #tpu.memory_space<hbm>> -> memref<8194x1024xf32, #tpu.memory_space<hbm>>
      tpu.wait_indirect_dma semaphore(%arg12 : memref<!tpu.dma_semaphore, #tpu.memory_space<semaphore_mem>>) src(%dma_wait3A_131 : memref<8194x1024xf32, #tpu.memory_space<hbm>>) dst(%arg8 : memref<16x1024xf32, #tpu.memory_space<vmem>>)
      %add3A_132 = arith.constant 1 : i32
      %add3A_133 = arith.addi %mul3A_112, %add3A_132 : i32
      %mul3A_134 = arith.constant 16 : i32
      %mul3A_135 = arith.muli %add3A_133, %mul3A_134 : i32
      %multiple_of3A_136 = tpu.assume_multiple %mul3A_135, 16 : i32
      %add3A_137 = arith.addi %mul3A_2, %multiple_of3A_136 : i32
      %dma_start3A_138 = arith.constant 0 : i32
      %dma_start3A_139 = tpu.memref_slice %arg4[%add3A_137, %dma_start3A_138] : memref<32768x1024xf32, #tpu.memory_space<hbm>> -> memref<16x1024xf32, #tpu.memory_space<hbm>>
      %dma_start3A_140 = arith.constant 0 : i32
      %dma_start3A_141 = tpu.memref_slice %arg4[%add3A_137, %dma_start3A_140] : memref<32768x1024xf32, #tpu.memory_space<hbm>> -> memref<16x1024xf32, #tpu.memory_space<hbm>>
      tpu.enqueue_dma source(%arg8 : memref<16x1024xf32, #tpu.memory_space<vmem>>) target(%dma_start3A_141 : memref<16x1024xf32, #tpu.memory_space<hbm>>) target_semaphore(%arg16 : memref<!tpu.dma_semaphore, #tpu.memory_space<semaphore_mem>>)
      %dma_wait3A_142 = arith.constant 0 : i32
      %dma_wait3A_143 = tpu.memref_slice %arg6[%dma_wait3A_142] : memref<1024xi32, #tpu.memory_space<vmem>> -> memref<16xi32, #tpu.memory_space<vmem>>
      %dma_wait3A_144 = arith.constant 0 : i32
      %dma_wait3A_145 = arith.constant 0 : i32
      %dma_wait3A_146 = tpu.memref_slice %arg3[%dma_wait3A_144, %dma_wait3A_145] : memref<8194x1024xf32, #tpu.memory_space<hbm>> -> memref<8194x1024xf32, #tpu.memory_space<hbm>>
      tpu.wait_indirect_dma semaphore(%arg13 : memref<!tpu.dma_semaphore, #tpu.memory_space<semaphore_mem>>) src(%dma_wait3A_146 : memref<8194x1024xf32, #tpu.memory_space<hbm>>) dst(%arg9 : memref<16x1024xf32, #tpu.memory_space<vmem>>)
      %add3A_147 = arith.constant 2 : i32
      %add3A_148 = arith.addi %mul3A_112, %add3A_147 : i32
      %mul3A_149 = arith.constant 16 : i32
      %mul3A_150 = arith.muli %add3A_148, %mul3A_149 : i32
      %multiple_of3A_151 = tpu.assume_multiple %mul3A_150, 16 : i32
      %add3A_152 = arith.addi %mul3A_2, %multiple_of3A_151 : i32
      %dma_start3A_153 = arith.constant 0 : i32
      %dma_start3A_154 = tpu.memref_slice %arg4[%add3A_152, %dma_start3A_153] : memref<32768x1024xf32, #tpu.memory_space<hbm>> -> memref<16x1024xf32, #tpu.memory_space<hbm>>
      %dma_start3A_155 = arith.constant 0 : i32
      %dma_start3A_156 = tpu.memref_slice %arg4[%add3A_152, %dma_start3A_155] : memref<32768x1024xf32, #tpu.memory_space<hbm>> -> memref<16x1024xf32, #tpu.memory_space<hbm>>
      tpu.enqueue_dma source(%arg9 : memref<16x1024xf32, #tpu.memory_space<vmem>>) target(%dma_start3A_156 : memref<16x1024xf32, #tpu.memory_space<hbm>>) target_semaphore(%arg17 : memref<!tpu.dma_semaphore, #tpu.memory_space<semaphore_mem>>)
      %dma_wait3A_157 = arith.constant 0 : i32
      %dma_wait3A_158 = tpu.memref_slice %arg6[%dma_wait3A_157] : memref<1024xi32, #tpu.memory_space<vmem>> -> memref<16xi32, #tpu.memory_space<vmem>>
      %dma_wait3A_159 = arith.constant 0 : i32
      %dma_wait3A_160 = arith.constant 0 : i32
      %dma_wait3A_161 = tpu.memref_slice %arg3[%dma_wait3A_159, %dma_wait3A_160] : memref<8194x1024xf32, #tpu.memory_space<hbm>> -> memref<8194x1024xf32, #tpu.memory_space<hbm>>
      tpu.wait_indirect_dma semaphore(%arg14 : memref<!tpu.dma_semaphore, #tpu.memory_space<semaphore_mem>>) src(%dma_wait3A_161 : memref<8194x1024xf32, #tpu.memory_space<hbm>>) dst(%arg10 : memref<16x1024xf32, #tpu.memory_space<vmem>>)
      %add3A_162 = arith.constant 3 : i32
      %add3A_163 = arith.addi %mul3A_112, %add3A_162 : i32
      %mul3A_164 = arith.constant 16 : i32
      %mul3A_165 = arith.muli %add3A_163, %mul3A_164 : i32
      %multiple_of3A_166 = tpu.assume_multiple %mul3A_165, 16 : i32
      %add3A_167 = arith.addi %mul3A_2, %multiple_of3A_166 : i32
      %dma_start3A_168 = arith.constant 0 : i32
      %dma_start3A_169 = tpu.memref_slice %arg4[%add3A_167, %dma_start3A_168] : memref<32768x1024xf32, #tpu.memory_space<hbm>> -> memref<16x1024xf32, #tpu.memory_space<hbm>>
      %dma_start3A_170 = arith.constant 0 : i32
      %dma_start3A_171 = tpu.memref_slice %arg4[%add3A_167, %dma_start3A_170] : memref<32768x1024xf32, #tpu.memory_space<hbm>> -> memref<16x1024xf32, #tpu.memory_space<hbm>>
      tpu.enqueue_dma source(%arg10 : memref<16x1024xf32, #tpu.memory_space<vmem>>) target(%dma_start3A_171 : memref<16x1024xf32, #tpu.memory_space<hbm>>) target_semaphore(%arg18 : memref<!tpu.dma_semaphore, #tpu.memory_space<semaphore_mem>>)
      %dma_wait3A_172 = arith.constant 0 : i32
      %dma_wait3A_173 = tpu.memref_slice %arg4[%mul3A_2, %dma_wait3A_172] : memref<32768x1024xf32, #tpu.memory_space<hbm>> -> memref<16x1024xf32, #tpu.memory_space<hbm>>
      %dma_wait3A_174 = arith.constant 0 : i32
      %dma_wait3A_175 = tpu.memref_slice %arg4[%mul3A_2, %dma_wait3A_174] : memref<32768x1024xf32, #tpu.memory_space<hbm>> -> memref<16x1024xf32, #tpu.memory_space<hbm>>
      tpu.wait_dma2 semaphore(%arg15 : memref<!tpu.dma_semaphore, #tpu.memory_space<semaphore_mem>>) src(%arg7 : memref<16x1024xf32, #tpu.memory_space<vmem>>) dst(%dma_wait3A_175 : memref<16x1024xf32, #tpu.memory_space<hbm>>)
      %add3A_176 = arith.constant 1 : i32
      %add3A_177 = arith.addi %scan3A_109, %add3A_176 : i32
      %lt3A_178 = arith.constant 16 : i32
      %lt3A_179 = arith.cmpi slt, %add3A_177, %lt3A_178 : i32
      %convert_element_type3A = arith.extui %lt3A_179 : i1 to i32
      %cond3A = arith.constant 0 : i32
      %cond3A_180 = arith.cmpi ne, %convert_element_type3A, %cond3A : i32
      scf.if %cond3A_180 {
        %add3A_215 = arith.constant 4 : i32
        %add3A_216 = arith.addi %mul3A_112, %add3A_215 : i32
        %add3A_217 = arith.constant 0 : i32
        %add3A_218 = arith.addi %add3A_216, %add3A_217 : i32
        %mul3A_219 = arith.constant 16 : i32
        %mul3A_220 = arith.muli %add3A_218, %mul3A_219 : i32
        %multiple_of3A_221 = tpu.assume_multiple %mul3A_220, 16 : i32
        %dma_start3A_222 = tpu.memref_slice %arg6[%multiple_of3A_221] : memref<1024xi32, #tpu.memory_space<vmem>> -> memref<16xi32, #tpu.memory_space<vmem>>
        %dma_start3A_223 = arith.constant 0 : i32
        %dma_start3A_224 = arith.constant 0 : i32
        %dma_start3A_225 = tpu.memref_slice %arg3[%dma_start3A_223, %dma_start3A_224] : memref<8194x1024xf32, #tpu.memory_space<hbm>> -> memref<8194x1024xf32, #tpu.memory_space<hbm>>
        tpu.enqueue_indirect_dma source(%dma_start3A_225 : memref<8194x1024xf32, #tpu.memory_space<hbm>>) target(%arg7 : memref<16x1024xf32, #tpu.memory_space<vmem>>) offsets(%dma_start3A_222 : memref<16xi32, #tpu.memory_space<vmem>>) semaphore(%arg11 : memref<!tpu.dma_semaphore, #tpu.memory_space<semaphore_mem>>)
      } else {
      }
      %dma_wait3A_181 = arith.constant 0 : i32
      %dma_wait3A_182 = tpu.memref_slice %arg4[%mul3A_2, %dma_wait3A_181] : memref<32768x1024xf32, #tpu.memory_space<hbm>> -> memref<16x1024xf32, #tpu.memory_space<hbm>>
      %dma_wait3A_183 = arith.constant 0 : i32
      %dma_wait3A_184 = tpu.memref_slice %arg4[%mul3A_2, %dma_wait3A_183] : memref<32768x1024xf32, #tpu.memory_space<hbm>> -> memref<16x1024xf32, #tpu.memory_space<hbm>>
      tpu.wait_dma2 semaphore(%arg16 : memref<!tpu.dma_semaphore, #tpu.memory_space<semaphore_mem>>) src(%arg8 : memref<16x1024xf32, #tpu.memory_space<vmem>>) dst(%dma_wait3A_184 : memref<16x1024xf32, #tpu.memory_space<hbm>>)
      %add3A_185 = arith.constant 1 : i32
      %add3A_186 = arith.addi %scan3A_109, %add3A_185 : i32
      %lt3A_187 = arith.constant 16 : i32
      %lt3A_188 = arith.cmpi slt, %add3A_186, %lt3A_187 : i32
      %convert_element_type3A_189 = arith.extui %lt3A_188 : i1 to i32
      %cond3A_190 = arith.constant 0 : i32
      %cond3A_191 = arith.cmpi ne, %convert_element_type3A_189, %cond3A_190 : i32
      scf.if %cond3A_191 {
        %add3A_215 = arith.constant 4 : i32
        %add3A_216 = arith.addi %mul3A_112, %add3A_215 : i32
        %add3A_217 = arith.constant 1 : i32
        %add3A_218 = arith.addi %add3A_216, %add3A_217 : i32
        %mul3A_219 = arith.constant 16 : i32
        %mul3A_220 = arith.muli %add3A_218, %mul3A_219 : i32
        %multiple_of3A_221 = tpu.assume_multiple %mul3A_220, 16 : i32
        %dma_start3A_222 = tpu.memref_slice %arg6[%multiple_of3A_221] : memref<1024xi32, #tpu.memory_space<vmem>> -> memref<16xi32, #tpu.memory_space<vmem>>
        %dma_start3A_223 = arith.constant 0 : i32
        %dma_start3A_224 = arith.constant 0 : i32
        %dma_start3A_225 = tpu.memref_slice %arg3[%dma_start3A_223, %dma_start3A_224] : memref<8194x1024xf32, #tpu.memory_space<hbm>> -> memref<8194x1024xf32, #tpu.memory_space<hbm>>
        tpu.enqueue_indirect_dma source(%dma_start3A_225 : memref<8194x1024xf32, #tpu.memory_space<hbm>>) target(%arg8 : memref<16x1024xf32, #tpu.memory_space<vmem>>) offsets(%dma_start3A_222 : memref<16xi32, #tpu.memory_space<vmem>>) semaphore(%arg12 : memref<!tpu.dma_semaphore, #tpu.memory_space<semaphore_mem>>)
      } else {
      }
      %dma_wait3A_192 = arith.constant 0 : i32
      %dma_wait3A_193 = tpu.memref_slice %arg4[%mul3A_2, %dma_wait3A_192] : memref<32768x1024xf32, #tpu.memory_space<hbm>> -> memref<16x1024xf32, #tpu.memory_space<hbm>>
      %dma_wait3A_194 = arith.constant 0 : i32
      %dma_wait3A_195 = tpu.memref_slice %arg4[%mul3A_2, %dma_wait3A_194] : memref<32768x1024xf32, #tpu.memory_space<hbm>> -> memref<16x1024xf32, #tpu.memory_space<hbm>>
      tpu.wait_dma2 semaphore(%arg17 : memref<!tpu.dma_semaphore, #tpu.memory_space<semaphore_mem>>) src(%arg9 : memref<16x1024xf32, #tpu.memory_space<vmem>>) dst(%dma_wait3A_195 : memref<16x1024xf32, #tpu.memory_space<hbm>>)
      %add3A_196 = arith.constant 1 : i32
      %add3A_197 = arith.addi %scan3A_109, %add3A_196 : i32
      %lt3A_198 = arith.constant 16 : i32
      %lt3A_199 = arith.cmpi slt, %add3A_197, %lt3A_198 : i32
      %convert_element_type3A_200 = arith.extui %lt3A_199 : i1 to i32
      %cond3A_201 = arith.constant 0 : i32
      %cond3A_202 = arith.cmpi ne, %convert_element_type3A_200, %cond3A_201 : i32
      scf.if %cond3A_202 {
        %add3A_215 = arith.constant 4 : i32
        %add3A_216 = arith.addi %mul3A_112, %add3A_215 : i32
        %add3A_217 = arith.constant 2 : i32
        %add3A_218 = arith.addi %add3A_216, %add3A_217 : i32
        %mul3A_219 = arith.constant 16 : i32
        %mul3A_220 = arith.muli %add3A_218, %mul3A_219 : i32
        %multiple_of3A_221 = tpu.assume_multiple %mul3A_220, 16 : i32
        %dma_start3A_222 = tpu.memref_slice %arg6[%multiple_of3A_221] : memref<1024xi32, #tpu.memory_space<vmem>> -> memref<16xi32, #tpu.memory_space<vmem>>
        %dma_start3A_223 = arith.constant 0 : i32
        %dma_start3A_224 = arith.constant 0 : i32
        %dma_start3A_225 = tpu.memref_slice %arg3[%dma_start3A_223, %dma_start3A_224] : memref<8194x1024xf32, #tpu.memory_space<hbm>> -> memref<8194x1024xf32, #tpu.memory_space<hbm>>
        tpu.enqueue_indirect_dma source(%dma_start3A_225 : memref<8194x1024xf32, #tpu.memory_space<hbm>>) target(%arg9 : memref<16x1024xf32, #tpu.memory_space<vmem>>) offsets(%dma_start3A_222 : memref<16xi32, #tpu.memory_space<vmem>>) semaphore(%arg13 : memref<!tpu.dma_semaphore, #tpu.memory_space<semaphore_mem>>)
      } else {
      }
      %dma_wait3A_203 = arith.constant 0 : i32
      %dma_wait3A_204 = tpu.memref_slice %arg4[%mul3A_2, %dma_wait3A_203] : memref<32768x1024xf32, #tpu.memory_space<hbm>> -> memref<16x1024xf32, #tpu.memory_space<hbm>>
      %dma_wait3A_205 = arith.constant 0 : i32
      %dma_wait3A_206 = tpu.memref_slice %arg4[%mul3A_2, %dma_wait3A_205] : memref<32768x1024xf32, #tpu.memory_space<hbm>> -> memref<16x1024xf32, #tpu.memory_space<hbm>>
      tpu.wait_dma2 semaphore(%arg18 : memref<!tpu.dma_semaphore, #tpu.memory_space<semaphore_mem>>) src(%arg10 : memref<16x1024xf32, #tpu.memory_space<vmem>>) dst(%dma_wait3A_206 : memref<16x1024xf32, #tpu.memory_space<hbm>>)
      %add3A_207 = arith.constant 1 : i32
      %add3A_208 = arith.addi %scan3A_109, %add3A_207 : i32
      %lt3A_209 = arith.constant 16 : i32
      %lt3A_210 = arith.cmpi slt, %add3A_208, %lt3A_209 : i32
      %convert_element_type3A_211 = arith.extui %lt3A_210 : i1 to i32
      %cond3A_212 = arith.constant 0 : i32
      %cond3A_213 = arith.cmpi ne, %convert_element_type3A_211, %cond3A_212 : i32
      scf.if %cond3A_213 {
        %add3A_215 = arith.constant 4 : i32
        %add3A_216 = arith.addi %mul3A_112, %add3A_215 : i32
        %add3A_217 = arith.constant 3 : i32
        %add3A_218 = arith.addi %add3A_216, %add3A_217 : i32
        %mul3A_219 = arith.constant 16 : i32
        %mul3A_220 = arith.muli %add3A_218, %mul3A_219 : i32
        %multiple_of3A_221 = tpu.assume_multiple %mul3A_220, 16 : i32
        %dma_start3A_222 = tpu.memref_slice %arg6[%multiple_of3A_221] : memref<1024xi32, #tpu.memory_space<vmem>> -> memref<16xi32, #tpu.memory_space<vmem>>
        %dma_start3A_223 = arith.constant 0 : i32
        %dma_start3A_224 = arith.constant 0 : i32
        %dma_start3A_225 = tpu.memref_slice %arg3[%dma_start3A_223, %dma_start3A_224] : memref<8194x1024xf32, #tpu.memory_space<hbm>> -> memref<8194x1024xf32, #tpu.memory_space<hbm>>
        tpu.enqueue_indirect_dma source(%dma_start3A_225 : memref<8194x1024xf32, #tpu.memory_space<hbm>>) target(%arg10 : memref<16x1024xf32, #tpu.memory_space<vmem>>) offsets(%dma_start3A_222 : memref<16xi32, #tpu.memory_space<vmem>>) semaphore(%arg14 : memref<!tpu.dma_semaphore, #tpu.memory_space<semaphore_mem>>)
      } else {
      }
      %scan3A_214 = arith.constant 0 : i32
      scf.yield %scan3A_214 : i32
    }
    %scan3A_108 = arith.constant 16 : i32
    return
  }
}

</mosaic_0001>

<sc_bundles>
// kernel: kernel.3.cloned.1.call-start
scs
__scs_entry_jumppad:
0x0: {  	(pc) =	sbr.rel $0x88, $3  }
0x1: {  	(tag) =	ssettag $0x0;
	lr =	simm.s32 $0x1  }
0x2: {  	[smem:$0x3F9F] =	sst lr;
	_ =	strace $0xD0000000  }
0x3: {  	_ = 	snop  }
0x4: {  	_ = 	snop  }
0x5: {  	_ = 	snop  }
0x6: {  	_ = 	snop  }
0x7: {  	_ = 	snop  }
__scs_overlays_trampoline_lowered:
0x8: {  	[smem:$0x3FAE] =	sst s0  }
0x9: {  	[smem:$0x3FAF] =	sst s1  }
0xa: {  	[smem:$0x3FB0] =	sst s2  }
0xb: {  	[smem:$0x3FB1] =	sst s3  }
0xc: {  	[smem:$0x3FB2] =	sst s4  }
0xd: {  	[smem:$0x3FB3] =	sst s5  }
0xe: {  	[smem:$0x3FB4] =	sst s6  }
0xf: {  	[smem:$0x3FB5] =	sst s7  }
0x10: {  	[smem:$0x3FB6] =	sst s8  }
0x11: {  	[smem:$0x3FB7] =	sst s9;
	s0 =	simm.s32 @!p0 $0x0  }
0x12: {  	s1 =	sld [smem:$0x3F9D];
	s0 =	simm.s32 @p0 $0x1  }
0x13: {  	[smem:$0x3FB8] =	sst s0;
	s0 =	simm.s32 @!p1 $0x0  }
0x14: {  	s2 =	sld [smem:$0x3F9C];
	s0 =	simm.s32 @p1 $0x1  }
0x15: {  	[smem:$0x3FB9] =	sst s0;
	s0 =	simm.s32 @!p2 $0x0  }
0x16: {  	s3 =	sld [smem:$0x3FDB];
	s0 =	simm.s32 @p2 $0x1  }
0x17: {  	s4 =	simm.s32 $0x1BF5;
	[smem:$0x3FBB] =	sst s0  }
0x18: {  	s0 =	sld [smem:$0x3F9E];
	_ =	swait.ge [sflag:s4], $0x0  }
0x19: {  	s7 =	sld [smem:$0x3F9F]  }
0x1a: {  	s8 =	sadd.s32 $0xFFFFE003, lr  }
0x1b: {  	s9 =	sadd.s32 $0xFFFFFEF7, lr;
	s5 =	simm.s32 $0xFFFFFFFF;
	p2 =	slt.u32 s8, $0xFFFFF086  }
0x1c: {  	p1 =	slt.u32 s9, $0xF7A;
	s5 =	simm.s32 @!p2 $0x0  }
0x1d: {  	s5 =	simm.s32 @p1 $0x1;
	p0 =	seq.s32 s7, s2  }
0x1e: {  	s7 =	smul.u32 @!p0 $0xF7A, s2;
	p2 =	seq.s32 @!p0 s5, $0x0  }
0x1f: {  	s9 =	smul.u32 $0xF7A, s1;
	s8 =	simm.s32 @!p0 $0x1BF5;
	p2 =	por !p2, p0  }
0x20: {  	[sflag:s8] =	ssyncset.s32 @!p0 $0xFFFFF086;
	s6 =	sadd.s32 @!p0 s3, s7;
	s7 =	simm.s32 @!p0 $0x108  }
0x21: {  	s3 =	sadd.s32 s3, s9;
	s6 =	sadd.s32 @!p0 $0x88, s6;
	s7 =	simm.s32 @p2 $0x1082  }
0x22: {  	[simem:s7], [sflag:s8] =	dma.local @!p0 [hbm:s6], $0xF7A  }
0x23: {  	s9 =	sor.u32 $0xD0000000, s2;
	s6 =	simm.s32 $0x108;
	_ =	swait.ge @!p0 [sflag:s8], $0x0  }
0x24: {  	s3 =	sadd.s32 $0x88, s3;
	s6 =	simm.s32 @!p1 $0x1082;
	[sflag:s4] =	ssyncset.s32 $0xFFFFF086  }
0x25: {  	[simem:s6], [sflag:s4] =	dma.local [hbm:s3], $0xF7A  }
0x26: {  	[smem:$0x3F9F] =	sst s1;
	(tag) =	ssettag s2;
	_ =	strace s9  }
0x27: {  	s1 =	sld [smem:$0x3FAF]  }
0x28: {  	s2 =	sld [smem:$0x3FB0]  }
0x29: {  	s4 =	sld [smem:$0x3FB2]  }
0x2a: {  	p0 =	seq.s32 s5, $0x0;
	s5 =	sld [smem:$0x3FB3]  }
0x2b: {  	s6 =	sld [smem:$0x3FB4]  }
0x2c: {  	s7 =	sld [smem:$0x3FB5]  }
0x2d: {  	s3 =	simm.s32 $0x108;
	s8 =	sld [smem:$0x3FB6]  }
0x2e: {  	s3 =	simm.s32 @!p0 $0x1082;
	s9 =	sld [smem:$0x3FB7]  }
0x2f: {  	lr =	sadd.s32 s0, s3;
	s0 =	sld [smem:$0x3FAE]  }
0x30: {  	s3 =	sld [smem:$0x3FB1]  }
0x31: {  	[smem:$0x3FBA] =	sst s10  }
0x32: {  	s10 =	sld [smem:$0x3FB8];
	_ =	sdelay $0x3  }
0x33: {  	p0 =	seq.s32 s10, $0x1;
	s10 =	sld [smem:$0x3FBA];
	_ =	sdelay $0x3  }
0x34: {  	[smem:$0x3FBA] =	sst s10  }
0x35: {  	s10 =	sld [smem:$0x3FB9];
	_ =	sdelay $0x3  }
0x36: {  	p1 =	seq.s32 s10, $0x1;
	s10 =	sld [smem:$0x3FBA];
	_ =	sdelay $0x3  }
0x37: {  	[smem:$0x3FBA] =	sst s10  }
0x38: {  	s10 =	sld [smem:$0x3FBB]  }
0x39: {  	_ = 	snop;
	(pc) =	sbr.ind lr, $3  }
0x3a: {  	_ = 	snop  }
0x3b: {  	_ = 	snop  }
0x3c: {  	p2 =	seq.s32 s10, $0x1;
	s10 =	sld [smem:$0x3FBA]  }
0x3d: {  	_ =	shalt  }
0x3e: {  	_ =	shalt  }
0x3f: {  	_ =	shalt  }
0x40: {  	_ =	shalt  }
0x41: {  	_ =	shalt  }
0x42: {  	_ =	shalt  }
0x43: {  	_ =	shalt  }
0x44: {  	_ =	shalt  }
0x45: {  	_ =	shalt  }
0x46: {  	_ =	shalt  }
0x47: {  	_ =	shalt  }
0x48: {  	_ =	shalt  }
0x49: {  	_ =	shalt  }
0x4a: {  	_ =	shalt  }
0x4b: {  	_ =	shalt  }
0x4c: {  	_ =	shalt  }
0x4d: {  	_ =	shalt  }
0x4e: {  	_ =	shalt  }
0x4f: {  	_ =	shalt  }
0x50: {  	_ =	shalt  }
0x51: {  	_ =	shalt  }
0x52: {  	_ =	shalt  }
0x53: {  	_ =	shalt  }
0x54: {  	_ =	shalt  }
0x55: {  	_ =	shalt  }
0x56: {  	_ =	shalt  }
0x57: {  	_ =	shalt  }
0x58: {  	_ =	shalt  }
0x59: {  	_ =	shalt  }
0x5a: {  	_ =	shalt  }
0x5b: {  	_ =	shalt  }
0x5c: {  	_ =	shalt  }
0x5d: {  	_ =	shalt  }
0x5e: {  	_ =	shalt  }
0x5f: {  	_ =	shalt  }
0x60: {  	_ =	shalt  }
0x61: {  	_ =	shalt  }
0x62: {  	_ =	shalt  }
0x63: {  	_ =	shalt  }
0x64: {  	_ =	shalt  }
0x65: {  	_ =	shalt  }
0x66: {  	_ =	shalt  }
0x67: {  	_ =	shalt  }
0x68: {  	_ =	shalt  }
0x69: {  	_ =	shalt  }
0x6a: {  	_ =	shalt  }
0x6b: {  	_ =	shalt  }
0x6c: {  	_ =	shalt  }
0x6d: {  	_ =	shalt  }
0x6e: {  	_ =	shalt  }
0x6f: {  	_ =	shalt  }
0x70: {  	_ =	shalt  }
0x71: {  	_ =	shalt  }
0x72: {  	_ =	shalt  }
0x73: {  	_ =	shalt  }
0x74: {  	_ =	shalt  }
0x75: {  	_ =	shalt  }
0x76: {  	_ =	shalt  }
0x77: {  	_ =	shalt  }
0x78: {  	_ =	shalt  }
0x79: {  	_ =	shalt  }
0x7a: {  	_ =	shalt  }
0x7b: {  	_ =	shalt  }
0x7c: {  	_ =	shalt  }
0x7d: {  	_ =	shalt  }
0x7e: {  	_ =	shalt  }
0x7f: {  	_ =	shalt  }
0x80: {  	_ =	shalt  }
0x81: {  	_ =	shalt  }
0x82: {  	_ =	shalt  }
0x83: {  	_ =	shalt  }
0x84: {  	_ =	shalt  }
0x85: {  	_ =	shalt  }
0x86: {  	_ =	shalt  }
0x87: {  	_ =	shalt  }
.Lfunc_end0:
.L_simem_size_0:
called_computation_lowered:
.L_overlay_start_0:
0x88: {  	s2 =	sld [smem:$0x3FD9]  }
0x89: {  	s3 =	sld [smem:$0x3FFE];
	_ =	sdelay $0x1  }
0x8a: {  	s1 =	srdreg.scid  }
0x8b: {  	s0 =	sand.u32 $0x1, s1  }
0x8c: {  	s17 =	sshll.u32 s0, $0xA;
	s2 =	sadd.s32 s3, s2  }
0x8d: {  	s2 =	sadd.s32 s2, s17  }
0x8e: {  	[smem:$0x3FC6] =	sst s2  }
0x8f: {  	_ = 	snop  }
0x90: {  	s2 =	sld [smem:$0x3FC8]  }
0x91: {  	s18 =	sld [smem:$0x3FD0];
	(tm) =	ssettm $0x1  }
0x92: {  	s4 =	sld [smem:$0x3FFB];
	_ =	sdelay $0x3  }
0x93: {  	_ =	strace s4  }
0x94: {  	s4 =	sld [smem:$0x3FFC];
	_ =	sdelay $0x3  }
0x95: {  	_ =	strace s4  }
0x96: {  	s4 =	sld [smem:$0x3FFD];
	_ =	sdelay $0x3  }
0x97: {  	_ =	strace s4  }
0x98: {  	_ =	strace $0x8FFFFFFF  }
0x99: {  	s19 =	sld [smem:$0x3FDB];
	_ =	sdelay $0x1  }
0x9a: {  	s5 =	simm.s32 $_scs_section_size  }
0x9b: {  	s6 =	simm.s32 $_size__tile_overlayer_lowered;
	s7 =	simm.s32 $_tile_overlayer_lowered  }
0x9c: {  	s22 =	simm.s32 $0x1BFF;
	s21 =	sshll.u32 s7, $0x1;
	s4 =	sadd.s32 s5, s19  }
0x9d: {  	s8 =	simm.s32 $0x0;
	s20 =	sshll.u32 s6, $0x1;
	s6 =	sadd.s32 s21, s4  }
0x9e: {  	[timem:s8], [sflag:s22] =	dma.local [hbm:s6], s20  }
0x9f: {  	_ =	swait.ge [sflag:s22], s20  }
0xa0: {  	s5 =	ssub.s32 $0x0, s20;
	[sflag:s22] =	ssyncset.done $0x0  }
0xa1: {  	[sflag:s22] =	ssyncadd.s32 s5;
	_ =	sdelay $0x1  }
0xa2: {  	s23 =	simm.s32 $0x1B8B  }
0xa3: {  	_ =	swait.ge [sflag:s23], $0x1  }
0xa4: {  	[sflag:s23] =	ssyncset.done $0x0  }
0xa5: {  	s25 =	simm.s32 $0x1B8E;
	s24 =	sld [smem:$0x3FFE];
	[sflag:s23] =	ssyncadd.s32 $0xFFFFFFFF  }
0xa6: {  	s26 =	simm.s32 $execute0_lowered;
	[smem:$0x3FD2] =	sst s25  }
0xa7: {  	s6 =	sshll.u32 s26, $0x1;
	_ =	strace $0x80000046;
	[dreg:$0x1] =	wrdreg $0xFFFFFFFF  }
0xa8: {  	s28 =	simm.s32 $_size_execute0_lowered;
	s4 =	sadd.s32 s4, s6;
	[dreg:$0x0] =	wrdreg $0x0  }
0xa9: {  	s6 =	sshll.u32 s28, $0x1;
	[dreg:$0x2] =	wrdreg s4  }
0xaa: {  	[dreg:$0x3] =	wrdreg s6  }
0xab: {  	[dreg:$0x4] =	wrdreg $0xC0  }
0xac: {  	_ =	task [dreg:s8], $0x5FFFF  }
0xad: {  	[dreg:$0x1] =	wrdreg $0xFFFFFFFF  }
0xae: {  	[dreg:$0x0] =	wrdreg $0x60  }
0xaf: {  	[dreg:$0x2] =	wrdreg s24  }
0xb0: {  	[dreg:$0x3] =	wrdreg s2  }
0xb1: {  	[dreg:$0x4] =	wrdreg s18  }
0xb2: {  	[dreg:$0x5] =	wrdreg $0x9  }
0xb3: {  	_ =	task.clear_ibuf [dreg:s8], $0x6FFFF;
	_ =	strace $0x90000046  }
0xb4: {  	s29 =	simm.s32 $0x9;
	_ =	strace $0x80000048  }
0xb5: {  	_ =	swait.ge [sflag:s29], $0x1  }
0xb6: {  	[sflag:s29] =	ssyncadd.s32 $0xFFFFFFFF  }
0xb7: {  	_ =	strace $0x90000048  }
0xb8: {  	_ =	sfence  }
0xb9: {  	s30 =	sld [smem:$0x0];
	_ =	sdelay $0x2  }
0xba: {  	s31 =	sshll.u32 s1, $0xD;
	s1 =	sshrl.u32 s1, $0x2  }
0xbb: {  	s3 =	sand.u32 $0x4000, s31;
	s1 =	sadd.s32 s1, s30  }
0xbc: {  	s0 =	sor.u32 s3, s0;
	s1 =	sshll.u32 s1, $0x11  }
0xbd: {  	s0 =	sor.u32 s1, s0  }
0xbe: {  	s0 =	sadd.s32 $0x8F2B, s0  }
0xbf: {  	[sflag:s0] =	ssyncadd.remote.s32 $0x1  }
0xc0: {  	_ =	sfence.sel $0xFFFF  }
0xc1: {  	[dreg:$0x0] =	wrdreg $0xFFFFFFFF;
	(pc) =	sbr.abs _section_cstart, $3  }
0xc2: {  	[dreg:$0x1] =	wrdreg $0xFFFFFFFF  }
0xc3: {  	_ =	task.clear_ibuf [dreg:s8], $0x2FFFF;
	_ =	strace $0x9FFFFFFF  }
0xc4: {  	(tm) =	ssettm $0x7FFFFFFF  }
0xc5: {  	_ =	shalt  }
tec
execute0_lowered:
.L_overlay_start_1:
0x0: {  	(tag) =	ssettag $0x1  }
0x1: {  	s0 =	rddreg [dreg:$0x0]  }
0x2: {  	s1 =	rddreg [dreg:$0x1]  }
0x3: {  	s2 =	rddreg [dreg:$0x2]  }
0x4: {  	s3 =	simm.s32 $0x0;
	s4 =	srdreg.scid;
	s11 =	stileid.u32  }
0x5: {  	s13 =	simm.s32 $0x2400;
	s21 =	simm.s32 $0x6400;
	s30 =	simm.s32 $0xA400  }
0x6: {  	s14 =	simm.s32 $0xE400;
	s15 =	simm.s32 $0xEC00;
	s16 =	simm.s32 $0xF400  }
0x7: {  	s17 =	simm.s32 $0xFC00;
	s18 =	simm.s32 $0x10400;
	s19 =	simm.s32 $0x10C00  }
0x8: {  	s20 =	simm.s32 $0x11400;
	s22 =	simm.s32 $0x11C00;
	s23 =	simm.s32 $0x1  }
0x9: {  	s28 =	simm.s32 $0x5;
	s29 =	simm.s32 $0x6;
	s31 =	simm.s32 $0x7  }
0xa: {  	[smem:$0x7FF] =	sst s3;
	s4 =	sand.u32 $0x1, s4;
	s5 =	sshll.u32 s11, $0x8  }
0xb: {  	s7 =	sshll.u32 s11, $0x1;
	s24 =	sand.u32 $0x3, s11;
	s25 =	sshll.u32 s11, $0x12  }
0xc: {  	_ =	strace $0x80000047;
	s6 =	ssub.s32 $0x2, s4;
	s5 =	sand.u32 $0xC00, s5  }
0xd: {  	s7 =	sor.u32 s4, s7;
	s26 =	sshll.u32 s4, $0x6;
	s2 =	sadd.s32 s25, s2  }
0xe: {  	s4 =	sshll.u32 s4, $0x11;
	s25 =	simm.s32 $0x3;
	s8 =	sshrl.u32 s6, $0x1  }
0xf: {  	s0 =	sadd.s32 s5, s0;
	s10 =	sand.u32 $0x7, s7;
	s7 =	sadd.s32 $0x200, s1  }
0x10: {  	s11 =	sadd.s32 s4, s2;
	s4 =	simm.s32 $0x0;
	s9 =	ssub.s32 s6, s8  }
.Ltmp0:
0x11: {  	s0 =	sadd.s32 $0x400, s0;
	s5 =	sshll.u32 s10, $0xA;
	(pc) =	sbr.rel .LBB2_1-.Ltmp0, $4  }
0x12: {  	s6 =	sadd.s32 $0x100, s1;
	s8 =	sadd.s32 $0x300, s1;
	p0 =	seq.s32 s10, $0x0  }
0x13: {  	v3 =	vlaneseq.u32;
	[dreg:$0x4] =	wrdreg s0;
	s9 =	smax.u32 s9, $0x1;
	s0 =	sshll.u32 s24, $0x7  }
0x14: {  	v0 =	vimm.s32 $0x0;
	vm0 =	vmmov $0xffff;
	v2 =	vshrl.u32 v3, $0x3;
	s24 =	simm.s32 $0x2;
	[dreg:$0x5] =	wrdreg s9;
	s0 =	sor.u32 s26, s0  }
0x15: {  	v1 =	vand.u32 $0x7, v3;
	v3 =	vor.u32 $0x8, v3;
	v2 =	vmul.u32 $0x8, v2;
	s26 =	simm.s32 $0x4;
	[dreg:$0x6] =	wrdreg s0;
	s0 =	simm.s32 $0x8  }
.LBB2_9:
0x16: {  	_ =	swait.ge [sflag:s29], $0x4000  }
0x17: {  	[sflag:s29] =	ssyncset.done $0x0  }
0x18: {  	[sflag:s29] =	ssyncadd.s32 $0xFFFFC000  }
0x19: {  	_ =	swait.ge [sflag:s31], $0x4000  }
0x1a: {  	[sflag:s31] =	ssyncset.done $0x0  }
0x1b: {  	[sflag:s31] =	ssyncadd.s32 $0xFFFFC000  }
0x1c: {  	_ =	swait.ge [sflag:s0], $0x4000  }
0x1d: {  	[sflag:s0] =	ssyncset.done $0x0  }
0x1e: {  	[sflag:s0] =	ssyncadd.s32 $0xFFFFC000  }
.LBB2_11:
0x1f: {  	s4 =	rddreg [dreg:$0x7]  }
0x20: {  	s2 =	rddreg [dreg:$0x5];
	s4 =	sadd.s32 $0x1, s4  }
0x21: {  	p1 =	sne.s32 s4, s2  }
.Ltmp1:
0x22: {  	_ = 	snop;
	(pc) =	sbr.rel @!p1 .LBB2_12-.Ltmp1, $1  }
0x23: {  	_ =	sdelay $0x3  }
.LBB2_1:
0x24: {  	[dreg:$0x7] =	wrdreg s4  }
.Ltmp2:
0x25: {  	s2 =	rddreg [dreg:$0x4];
	s12 =	simm.s32 $0x9;
	(pc) =	sbr.rel @p0 .LBB2_5-.Ltmp2, $4  }
0x26: {  	[tilespmem:s3], [sflag:$0x9] =	stream.linear.gather [hbm4b:s2+s3], $0x2000, $0x38;
	[tilespmem:$0x12400] =	vst v63  }
0x27: {  	_ =	swait.ge [sflag:s12], $0x2000  }
0x28: {  	[sflag:s12] =	ssyncset.done $0x0  }
0x29: {  	v4 =	vimm.s32 $0x0;
	[sflag:s12] =	ssyncadd.s32 $0xFFFFE000  }
0x2a: {  	s2 =	rddreg [dreg:$0x6]  }
0x2b: {  	v4 =	vld [tilespmem:s3+$0x0];
	p1 =	sne.s32 s2, $0x1  }
.Ltmp3:
0x2c: {  	_ = 	snop;
	(pc) =	sbr.rel @!p1 .LBB2_4-.Ltmp3, $2  }
0x2d: {  	_ =	sdelay $0x2  }
0x2e: {  	s4 =	sadd.s32 $0x10, s3;
	s2 =	sadd.s32 $0xFFFFFFFF, s2;
	vm1 =	vne.s32 v4, $0x1;
	v4 =	vimm.s32 $0x0  }
.LBB2_3:
0x2f: {  	v5 =	vld [tilespmem:s4+$0x0];
	p1 =	sne.s32 s2, $0x1;
	s2 =	sadd.s32 $0xFFFFFFFF, s2;
	v6 =	vsel vm1, $0x1, v0  }
.Ltmp4:
0x30: {  	v4 =	vadd.s32 v6, v4;
	(pc) =	sbr.rel @p1 .LBB2_3-.Ltmp4, $2  }
0x31: {  	_ =	sdelay $0x2  }
0x32: {  	s4 =	sadd.s32 $0x10, s4;
	vm1 =	vne.s32 v5, $0x1  }
.LBB2_4:
0x33: {  	v5 =	vsel vm1, $0x1, v0  }
0x34: {  	v4 =	vadd.s32 v5, v4  }
.LBB2_5:
0x35: {  	(xrf0) =	vadd.scan.msk.s32 $0xffff, v4;
	_ =	sdelay $0x5  }
0x36: {  	v4, _, _ =	vpop (xrf0)  }
0x37: {  	s2 =	simm.s32 $0x0;
	(v2sf) =	vpush v4, $0xF  }
0x38: {  	s4 =	sand.u32 $0x380, s2  }
0x39: {  	s2 =	sand.u32 $0x70, s2;
	s4 =	sadd.s32 s4, s5  }
0x3a: {  	s2 =	sadd.s32 s2, s4  }
0x3b: {  	v4 =	vld [tilespmem:s2+$0x0];
	_ =	sdelay $0x4  }
0x3c: {  	vm1 =	vne.s32 v4, $0x1  }
0x3d: {  	v4 =	vsel vm1, $0x1, v0  }
0x3e: {  	(xrf0) =	vadd.scan.msk.s32 $0xffff, v4;
	_ =	sdelay $0x3  }
0x3f: {  	s4 =	spop (v2sf)  }
0x40: {  	v4 =	vmov s4  }
0x41: {  	v5, _, _ =	vpop (xrf0);
	v4 =	vadd.s32 $0x1, v4  }
0x42: {  	(v2sf) =	vpush v5, $0xF;
	v4 =	vbroadcast v4, $0x0  }
0x43: {  	s9 =	simm.s32 $0x10  }
0x44: {  	s10 =	simm.s32 $0x20;
	s12 =	sand.u32 $0x380, s9;
	s2 =	simm.s32 $0x2000;
	v4 =	vadd.s32 v5, v4  }
.LBB2_6:
0x45: {  	p1 =	sne.s32 s10, $0x3F0;
	s9 =	sand.u32 $0x70, s9;
	s12 =	sadd.s32 s12, s5;
	v4 =	vnsel vm1, $0x1, v4  }
0x46: {  	s12 =	sadd.s32 s9, s12;
	[tilespmem:s2+$0x0] =	vst v4;
	s9 =	smov.u32 s10  }
0x47: {  	v4 =	vld [tilespmem:s12+$0x0];
	_ =	sdelay $0x4  }
0x48: {  	vm1 =	vne.s32 v4, $0x1  }
0x49: {  	v4 =	vsel vm1, $0x1, v0  }
0x4a: {  	(xrf0) =	vadd.scan.msk.s32 $0xffff, v4;
	_ =	sdelay $0x2  }
0x4b: {  	s12 =	spop (v2sf)  }
0x4c: {  	s4 =	sadd.s32 s4, s12  }
.Ltmp5:
0x4d: {  	v4 =	vmov s4;
	(pc) =	sbr.rel @p1 .LBB2_6-.Ltmp5, $3  }
0x4e: {  	v4 =	vadd.s32 $0x1, v4;
	v5, _, _ =	vpop (xrf0)  }
0x4f: {  	v4 =	vbroadcast v4, $0x0;
	(v2sf) =	vpush v5, $0xF;
	_ =	sdelay $0x1  }
0x50: {  	s10 =	sadd.s32 $0x10, s10;
	s2 =	sadd.s32 $0x10, s2;
	s12 =	sand.u32 $0x380, s9;
	v4 =	vadd.s32 v5, v4  }
0x51: {  	_ =	sdelay $0x1  }
0x52: {  	s9 =	sand.u32 $0x70, s9;
	s10 =	sadd.s32 s12, s5;
	v4 =	vnsel vm1, $0x1, v4  }
0x53: {  	s9 =	sadd.s32 s9, s10;
	[tilespmem:s2+$0x0] =	vst v4  }
0x54: {  	v4 =	vld [tilespmem:s9+$0x0];
	_ =	sdelay $0x4  }
0x55: {  	vm1 =	vne.s32 v4, $0x1  }
0x56: {  	v4 =	vsel vm1, $0x1, v0  }
0x57: {  	(xrf0) =	vadd.scan.msk.s32 $0xffff, v4  }
0x58: {  	s12 =	spop (v2sf)  }
0x59: {  	s4 =	sadd.s32 s4, s12  }
0x5a: {  	v4 =	vmov s4  }
0x5b: {  	v4 =	vadd.s32 $0x1, v4  }
0x5c: {  	v4 =	vbroadcast v4, $0x0  }
0x5d: {  	v5, _, _ =	vpop (xrf0)  }
0x5e: {  	v4 =	vadd.s32 v5, v4  }
0x5f: {  	s9 =	sadd.s32 $0x10, s2;
	v4 =	vnsel vm1, $0x1, v4  }
0x60: {  	[tilespmem:s9+$0x0] =	vst v4  }
0x61: {  	v4 =	vld [tilespmem:$0x2000];
	_ =	sdelay $0x4  }
0x62: {  	v6 =	vshll.u32 v4, $0x3  }
0x63: {  	v4 =	vand.u32 $0x7, v4;
	v6 =	vand.u32 $0xFFFFFFC0, v6  }
0x64: {  	v4 =	vor.u32 v4, v6  }
0x65: {  	v6 =	vperm.xlane v4, v1;
	_ =	sdelay $0x1  }
0x66: {  	v6 =	vadd.s32 v2, v6;
	_ =	sdelay $0x3  }
0x67: {  	s2 =	simm.s32 $0x0  }
0x68: {  	[tilespmem:s13], [sflag:$0x1] =	stream.indirect_vreg.gather [hbm4b:s1+s2], $0x80, v6, vm0, $0xb8;
	[tilespmem:$0x12400] =	vst v63  }
0x69: {  	s12 =	simm.s32 $0x2C00;
	v4 =	vperm.xlane v4, v3  }
0x6a: {  	[tilespmem:s12], [sflag:$0x1] =	stream.indirect_vreg.gather [hbm4b:s6+s2], $0x80, v6, vm0, $0xb8;
	[tilespmem:$0x12400] =	vst v63  }
0x6b: {  	s10 =	simm.s32 $0x3400;
	v4 =	vadd.s32 v2, v4  }
0x6c: {  	[tilespmem:s10], [sflag:$0x1] =	stream.indirect_vreg.gather [hbm4b:s7+s2], $0x80, v6, vm0, $0xb8;
	[tilespmem:$0x12400] =	vst v63  }
0x6d: {  	s9 =	simm.s32 $0x3C00  }
0x6e: {  	[tilespmem:s9], [sflag:$0x1] =	stream.indirect_vreg.gather [hbm4b:s8+s2], $0x80, v6, vm0, $0xb8;
	[tilespmem:$0x12400] =	vst v63  }
0x6f: {  	s10 =	simm.s32 $0x4400  }
0x70: {  	[tilespmem:s10], [sflag:$0x1] =	stream.indirect_vreg.gather [hbm4b:s1+s2], $0x80, v4, vm0, $0xb8;
	[tilespmem:$0x12400] =	vst v63  }
0x71: {  	s9 =	simm.s32 $0x4C00  }
0x72: {  	[tilespmem:s9], [sflag:$0x1] =	stream.indirect_vreg.gather [hbm4b:s6+s2], $0x80, v4, vm0, $0xb8;
	[tilespmem:$0x12400] =	vst v63  }
0x73: {  	s10 =	simm.s32 $0x5400  }
0x74: {  	[tilespmem:s10], [sflag:$0x1] =	stream.indirect_vreg.gather [hbm4b:s7+s2], $0x80, v4, vm0, $0xb8;
	[tilespmem:$0x12400] =	vst v63  }
0x75: {  	s9 =	simm.s32 $0x5C00  }
0x76: {  	[tilespmem:s9], [sflag:$0x1] =	stream.indirect_vreg.gather [hbm4b:s8+s2], $0x80, v4, vm0, $0xb8;
	[tilespmem:$0x12400] =	vst v63  }
0x77: {  	v4 =	vld [tilespmem:$0x2010];
	_ =	sdelay $0x4  }
0x78: {  	v61 =	vshll.u32 v4, $0x3  }
0x79: {  	v4 =	vand.u32 $0x7, v4;
	v6 =	vand.u32 $0xFFFFFFC0, v61  }
0x7a: {  	v4 =	vor.u32 v4, v6  }
0x7b: {  	v6 =	vperm.xlane v4, v1;
	_ =	sdelay $0x1  }
0x7c: {  	v6 =	vadd.s32 v2, v6;
	_ =	sdelay $0x4  }
0x7d: {  	[tilespmem:s21], [sflag:$0x2] =	stream.indirect_vreg.gather [hbm4b:s1+s2], $0x80, v6, vm0, $0xb8;
	[tilespmem:$0x12400] =	vst v63  }
0x7e: {  	s10 =	simm.s32 $0x6C00;
	v4 =	vperm.xlane v4, v3  }
0x7f: {  	[tilespmem:s10], [sflag:$0x2] =	stream.indirect_vreg.gather [hbm4b:s6+s2], $0x80, v6, vm0, $0xb8;
	[tilespmem:$0x12400] =	vst v63  }
0x80: {  	s9 =	simm.s32 $0x7400;
	v4 =	vadd.s32 v2, v4  }
0x81: {  	[tilespmem:s9], [sflag:$0x2] =	stream.indirect_vreg.gather [hbm4b:s7+s2], $0x80, v6, vm0, $0xb8;
	[tilespmem:$0x12400] =	vst v63  }
0x82: {  	s10 =	simm.s32 $0x7C00  }
0x83: {  	[tilespmem:s10], [sflag:$0x2] =	stream.indirect_vreg.gather [hbm4b:s8+s2], $0x80, v6, vm0, $0xb8;
	[tilespmem:$0x12400] =	vst v63  }
0x84: {  	s9 =	simm.s32 $0x8400  }
0x85: {  	[tilespmem:s9], [sflag:$0x2] =	stream.indirect_vreg.gather [hbm4b:s1+s2], $0x80, v4, vm0, $0xb8;
	[tilespmem:$0x12400] =	vst v63  }
0x86: {  	s10 =	simm.s32 $0x8C00  }
0x87: {  	[tilespmem:s10], [sflag:$0x2] =	stream.indirect_vreg.gather [hbm4b:s6+s2], $0x80, v4, vm0, $0xb8;
	[tilespmem:$0x12400] =	vst v63  }
0x88: {  	s9 =	simm.s32 $0x9400  }
0x89: {  	[tilespmem:s9], [sflag:$0x2] =	stream.indirect_vreg.gather [hbm4b:s7+s2], $0x80, v4, vm0, $0xb8;
	[tilespmem:$0x12400] =	vst v63  }
0x8a: {  	s10 =	simm.s32 $0x9C00  }
0x8b: {  	[tilespmem:s10], [sflag:$0x2] =	stream.indirect_vreg.gather [hbm4b:s8+s2], $0x80, v4, vm0, $0xb8;
	[tilespmem:$0x12400] =	vst v63  }
0x8c: {  	v4 =	vld [tilespmem:$0x2020];
	_ =	sdelay $0x4  }
0x8d: {  	v62 =	vshll.u32 v4, $0x3  }
0x8e: {  	v4 =	vand.u32 $0x7, v4;
	v6 =	vand.u32 $0xFFFFFFC0, v62  }
0x8f: {  	v4 =	vor.u32 v4, v6  }
0x90: {  	v6 =	vperm.xlane v4, v1;
	_ =	sdelay $0x1  }
0x91: {  	v6 =	vadd.s32 v2, v6;
	_ =	sdelay $0x4  }
0x92: {  	[tilespmem:s30], [sflag:$0x3] =	stream.indirect_vreg.gather [hbm4b:s1+s2], $0x80, v6, vm0, $0xb8;
	[tilespmem:$0x12400] =	vst v63  }
0x93: {  	s9 =	simm.s32 $0xAC00;
	v4 =	vperm.xlane v4, v3  }
0x94: {  	[tilespmem:s9], [sflag:$0x3] =	stream.indirect_vreg.gather [hbm4b:s6+s2], $0x80, v6, vm0, $0xb8;
	[tilespmem:$0x12400] =	vst v63  }
0x95: {  	s10 =	simm.s32 $0xB400;
	v4 =	vadd.s32 v2, v4  }
0x96: {  	[tilespmem:s10], [sflag:$0x3] =	stream.indirect_vreg.gather [hbm4b:s7+s2], $0x80, v6, vm0, $0xb8;
	[tilespmem:$0x12400] =	vst v63  }
0x97: {  	s9 =	simm.s32 $0xBC00  }
0x98: {  	[tilespmem:s9], [sflag:$0x3] =	stream.indirect_vreg.gather [hbm4b:s8+s2], $0x80, v6, vm0, $0xb8;
	[tilespmem:$0x12400] =	vst v63  }
0x99: {  	s10 =	simm.s32 $0xC400  }
0x9a: {  	[tilespmem:s10], [sflag:$0x3] =	stream.indirect_vreg.gather [hbm4b:s1+s2], $0x80, v4, vm0, $0xb8;
	[tilespmem:$0x12400] =	vst v63  }
0x9b: {  	s9 =	simm.s32 $0xCC00  }
0x9c: {  	[tilespmem:s9], [sflag:$0x3] =	stream.indirect_vreg.gather [hbm4b:s6+s2], $0x80, v4, vm0, $0xb8;
	[tilespmem:$0x12400] =	vst v63  }
0x9d: {  	s10 =	simm.s32 $0xD400  }
0x9e: {  	[tilespmem:s10], [sflag:$0x3] =	stream.indirect_vreg.gather [hbm4b:s7+s2], $0x80, v4, vm0, $0xb8;
	[tilespmem:$0x12400] =	vst v63  }
0x9f: {  	s9 =	simm.s32 $0xDC00  }
0xa0: {  	[tilespmem:s9], [sflag:$0x3] =	stream.indirect_vreg.gather [hbm4b:s8+s2], $0x80, v4, vm0, $0xb8;
	[tilespmem:$0x12400] =	vst v63  }
0xa1: {  	v4 =	vld [tilespmem:$0x2030];
	_ =	sdelay $0x4  }
0xa2: {  	v63 =	vshll.u32 v4, $0x3  }
0xa3: {  	v4 =	vand.u32 $0x7, v4;
	v6 =	vand.u32 $0xFFFFFFC0, v63  }
0xa4: {  	v4 =	vor.u32 v4, v6  }
0xa5: {  	v6 =	vperm.xlane v4, v1;
	_ =	sdelay $0x1  }
0xa6: {  	v6 =	vadd.s32 v2, v6;
	_ =	sdelay $0x2  }
0xa7: {  	(v2sf) =	vpush v5, $0xF;
	_ =	sdelay $0x1  }
0xa8: {  	[tilespmem:s14], [sflag:$0x4] =	stream.indirect_vreg.gather [hbm4b:s1+s2], $0x80, v6, vm0, $0xb8;
	[tilespmem:$0x12400] =	vst v63  }
0xa9: {  	v4 =	vperm.xlane v4, v3  }
0xaa: {  	[tilespmem:s15], [sflag:$0x4] =	stream.indirect_vreg.gather [hbm4b:s6+s2], $0x80, v6, vm0, $0xb8;
	[tilespmem:$0x12400] =	vst v63  }
0xab: {  	v4 =	vadd.s32 v2, v4  }
0xac: {  	[tilespmem:s16], [sflag:$0x4] =	stream.indirect_vreg.gather [hbm4b:s7+s2], $0x80, v6, vm0, $0xb8;
	[tilespmem:$0x12400] =	vst v63  }
0xad: {  	_ = 	snop  }
0xae: {  	[tilespmem:s17], [sflag:$0x4] =	stream.indirect_vreg.gather [hbm4b:s8+s2], $0x80, v6, vm0, $0xb8;
	[tilespmem:$0x12400] =	vst v63  }
0xaf: {  	_ = 	snop  }
0xb0: {  	[tilespmem:s18], [sflag:$0x4] =	stream.indirect_vreg.gather [hbm4b:s1+s2], $0x80, v4, vm0, $0xb8;
	[tilespmem:$0x12400] =	vst v63  }
0xb1: {  	_ = 	snop  }
0xb2: {  	[tilespmem:s19], [sflag:$0x4] =	stream.indirect_vreg.gather [hbm4b:s6+s2], $0x80, v4, vm0, $0xb8;
	[tilespmem:$0x12400] =	vst v63  }
0xb3: {  	_ = 	snop  }
0xb4: {  	[tilespmem:s20], [sflag:$0x4] =	stream.indirect_vreg.gather [hbm4b:s7+s2], $0x80, v4, vm0, $0xb8;
	[tilespmem:$0x12400] =	vst v63  }
0xb5: {  	s4 =	simm.s32 $0x2070;
	s10 =	spop (v2sf)  }
0xb6: {  	[tilespmem:s22], [sflag:$0x4] =	stream.indirect_vreg.gather [hbm4b:s8+s2], $0x80, v4, vm0, $0xb8;
	[tilespmem:$0x12400] =	vst v63  }
.LBB2_8:
0xb7: {  	_ =	swait.ge [sflag:s23], $0x4000  }
0xb8: {  	[sflag:s23] =	ssyncset.done $0x0  }
0xb9: {  	s9 =	sadd.s32 s2, s11;
	[sflag:s23] =	ssyncadd.s32 $0xFFFFC000  }
0xba: {  	[hbm4b:s9+s3] =	stream.linear.scatter [tilespmem:s13], [sflag:$0x5], $0x4000, $0x38;
	[tilespmem:$0x12400] =	vst v63  }
0xbb: {  	_ =	swait.ge [sflag:s24], $0x4000  }
0xbc: {  	[sflag:s24] =	ssyncset.done $0x0  }
0xbd: {  	s10 =	sadd.s32 $0x800, s9;
	[sflag:s24] =	ssyncadd.s32 $0xFFFFC000  }
0xbe: {  	[hbm4b:s10+s3] =	stream.linear.scatter [tilespmem:s21], [sflag:$0x6], $0x4000, $0x38;
	[tilespmem:$0x12400] =	vst v63  }
0xbf: {  	_ =	swait.ge [sflag:s25], $0x4000  }
0xc0: {  	[sflag:s25] =	ssyncset.done $0x0  }
0xc1: {  	s10 =	sadd.s32 $0x1000, s9;
	[sflag:s25] =	ssyncadd.s32 $0xFFFFC000  }
0xc2: {  	[hbm4b:s10+s3] =	stream.linear.scatter [tilespmem:s30], [sflag:$0x7], $0x4000, $0x38;
	[tilespmem:$0x12400] =	vst v63  }
0xc3: {  	_ =	swait.ge [sflag:s26], $0x4000  }
0xc4: {  	p1 =	sne.s32 s2, $0x1E000;
	[sflag:s26] =	ssyncset.done $0x0  }
.Ltmp6:
0xc5: {  	s9 =	sadd.s32 $0x1800, s9;
	[sflag:s26] =	ssyncadd.s32 $0xFFFFC000;
	(pc) =	sbr.rel @!p1 .LBB2_9-.Ltmp6, $4  }
0xc6: {  	[hbm4b:s9+s3] =	stream.linear.scatter [tilespmem:s14], [sflag:$0x8], $0x4000, $0x38;
	[tilespmem:$0x12400] =	vst v63  }
0xc7: {  	_ =	swait.ge [sflag:s28], $0x4000  }
0xc8: {  	[sflag:s28] =	ssyncset.done $0x0  }
0xc9: {  	[sflag:s28] =	ssyncadd.s32 $0xFFFFC000  }
0xca: {  	v4 =	vld [tilespmem:s4+$0xFFFFFFD0];
	_ =	sdelay $0x4  }
0xcb: {  	v5 =	vshll.u32 v4, $0x3  }
0xcc: {  	v4 =	vand.u32 $0x7, v4;
	v5 =	vand.u32 $0xFFFFFFC0, v5  }
0xcd: {  	v4 =	vor.u32 v4, v5  }
0xce: {  	v5 =	vperm.xlane v4, v1;
	_ =	sdelay $0x1  }
0xcf: {  	v5 =	vadd.s32 v2, v5;
	_ =	sdelay $0x4  }
0xd0: {  	[tilespmem:s13], [sflag:$0x1] =	stream.indirect_vreg.gather [hbm4b:s1+s3], $0x80, v5, vm0, $0xb8;
	[tilespmem:$0x12400] =	vst v63  }
0xd1: {  	v4 =	vperm.xlane v4, v3  }
0xd2: {  	[tilespmem:s12], [sflag:$0x1] =	stream.indirect_vreg.gather [hbm4b:s6+s3], $0x80, v5, vm0, $0xb8;
	[tilespmem:$0x12400] =	vst v63  }
0xd3: {  	s9 =	simm.s32 $0x3400;
	v4 =	vadd.s32 v2, v4  }
0xd4: {  	[tilespmem:s9], [sflag:$0x1] =	stream.indirect_vreg.gather [hbm4b:s7+s3], $0x80, v5, vm0, $0xb8;
	[tilespmem:$0x12400] =	vst v63  }
0xd5: {  	s10 =	simm.s32 $0x3C00  }
0xd6: {  	[tilespmem:s10], [sflag:$0x1] =	stream.indirect_vreg.gather [hbm4b:s8+s3], $0x80, v5, vm0, $0xb8;
	[tilespmem:$0x12400] =	vst v63  }
0xd7: {  	s10 =	simm.s32 $0x4400  }
0xd8: {  	[tilespmem:s10], [sflag:$0x1] =	stream.indirect_vreg.gather [hbm4b:s1+s3], $0x80, v4, vm0, $0xb8;
	[tilespmem:$0x12400] =	vst v63  }
0xd9: {  	s10 =	simm.s32 $0x4C00  }
0xda: {  	[tilespmem:s10], [sflag:$0x1] =	stream.indirect_vreg.gather [hbm4b:s6+s3], $0x80, v4, vm0, $0xb8;
	[tilespmem:$0x12400] =	vst v63  }
0xdb: {  	s10 =	simm.s32 $0x5400  }
0xdc: {  	[tilespmem:s10], [sflag:$0x1] =	stream.indirect_vreg.gather [hbm4b:s7+s3], $0x80, v4, vm0, $0xb8;
	[tilespmem:$0x12400] =	vst v63  }
0xdd: {  	s10 =	simm.s32 $0x5C00  }
0xde: {  	[tilespmem:s10], [sflag:$0x1] =	stream.indirect_vreg.gather [hbm4b:s8+s3], $0x80, v4, vm0, $0xb8;
	[tilespmem:$0x12400] =	vst v63  }
0xdf: {  	_ =	swait.ge [sflag:s29], $0x4000  }
0xe0: {  	[sflag:s29] =	ssyncset.done $0x0  }
0xe1: {  	[sflag:s29] =	ssyncadd.s32 $0xFFFFC000  }
0xe2: {  	v4 =	vld [tilespmem:s4+$0xFFFFFFE0];
	_ =	sdelay $0x4  }
0xe3: {  	v5 =	vshll.u32 v4, $0x3  }
0xe4: {  	v4 =	vand.u32 $0x7, v4;
	v5 =	vand.u32 $0xFFFFFFC0, v5  }
0xe5: {  	v4 =	vor.u32 v4, v5  }
0xe6: {  	v5 =	vperm.xlane v4, v1;
	_ =	sdelay $0x1  }
0xe7: {  	v5 =	vadd.s32 v2, v5;
	_ =	sdelay $0x4  }
0xe8: {  	[tilespmem:s21], [sflag:$0x2] =	stream.indirect_vreg.gather [hbm4b:s1+s3], $0x80, v5, vm0, $0xb8;
	[tilespmem:$0x12400] =	vst v63  }
0xe9: {  	s10 =	simm.s32 $0x6C00;
	v4 =	vperm.xlane v4, v3  }
0xea: {  	[tilespmem:s10], [sflag:$0x2] =	stream.indirect_vreg.gather [hbm4b:s6+s3], $0x80, v5, vm0, $0xb8;
	[tilespmem:$0x12400] =	vst v63  }
0xeb: {  	v4 =	vadd.s32 v2, v4;
	s10 =	simm.s32 $0x7400  }
0xec: {  	[tilespmem:s10], [sflag:$0x2] =	stream.indirect_vreg.gather [hbm4b:s7+s3], $0x80, v5, vm0, $0xb8;
	[tilespmem:$0x12400] =	vst v63  }
0xed: {  	s10 =	simm.s32 $0x7C00  }
0xee: {  	[tilespmem:s10], [sflag:$0x2] =	stream.indirect_vreg.gather [hbm4b:s8+s3], $0x80, v5, vm0, $0xb8;
	[tilespmem:$0x12400] =	vst v63  }
0xef: {  	s10 =	simm.s32 $0x8400  }
0xf0: {  	[tilespmem:s10], [sflag:$0x2] =	stream.indirect_vreg.gather [hbm4b:s1+s3], $0x80, v4, vm0, $0xb8;
	[tilespmem:$0x12400] =	vst v63  }
0xf1: {  	s10 =	simm.s32 $0x8C00  }
0xf2: {  	[tilespmem:s10], [sflag:$0x2] =	stream.indirect_vreg.gather [hbm4b:s6+s3], $0x80, v4, vm0, $0xb8;
	[tilespmem:$0x12400] =	vst v63  }
0xf3: {  	s10 =	simm.s32 $0x9400  }
0xf4: {  	[tilespmem:s10], [sflag:$0x2] =	stream.indirect_vreg.gather [hbm4b:s7+s3], $0x80, v4, vm0, $0xb8;
	[tilespmem:$0x12400] =	vst v63  }
0xf5: {  	s10 =	simm.s32 $0x9C00  }
0xf6: {  	[tilespmem:s10], [sflag:$0x2] =	stream.indirect_vreg.gather [hbm4b:s8+s3], $0x80, v4, vm0, $0xb8;
	[tilespmem:$0x12400] =	vst v63  }
0xf7: {  	_ =	swait.ge [sflag:s31], $0x4000  }
0xf8: {  	[sflag:s31] =	ssyncset.done $0x0  }
0xf9: {  	[sflag:s31] =	ssyncadd.s32 $0xFFFFC000  }
0xfa: {  	v4 =	vld [tilespmem:s4+$0xFFFFFFF0];
	_ =	sdelay $0x4  }
0xfb: {  	v5 =	vshll.u32 v4, $0x3  }
0xfc: {  	v4 =	vand.u32 $0x7, v4;
	v5 =	vand.u32 $0xFFFFFFC0, v5  }
0xfd: {  	v4 =	vor.u32 v4, v5  }
0xfe: {  	v5 =	vperm.xlane v4, v1;
	_ =	sdelay $0x1  }
0xff: {  	v5 =	vadd.s32 v2, v5;
	_ =	sdelay $0x4  }
0x100: {  	[tilespmem:s30], [sflag:$0x3] =	stream.indirect_vreg.gather [hbm4b:s1+s3], $0x80, v5, vm0, $0xb8;
	[tilespmem:$0x12400] =	vst v63  }
0x101: {  	s10 =	simm.s32 $0xAC00;
	v4 =	vperm.xlane v4, v3  }
0x102: {  	[tilespmem:s10], [sflag:$0x3] =	stream.indirect_vreg.gather [hbm4b:s6+s3], $0x80, v5, vm0, $0xb8;
	[tilespmem:$0x12400] =	vst v63  }
0x103: {  	v4 =	vadd.s32 v2, v4;
	s10 =	simm.s32 $0xB400  }
0x104: {  	[tilespmem:s10], [sflag:$0x3] =	stream.indirect_vreg.gather [hbm4b:s7+s3], $0x80, v5, vm0, $0xb8;
	[tilespmem:$0x12400] =	vst v63  }
0x105: {  	s10 =	simm.s32 $0xBC00  }
0x106: {  	[tilespmem:s10], [sflag:$0x3] =	stream.indirect_vreg.gather [hbm4b:s8+s3], $0x80, v5, vm0, $0xb8;
	[tilespmem:$0x12400] =	vst v63  }
0x107: {  	s10 =	simm.s32 $0xC400  }
0x108: {  	[tilespmem:s10], [sflag:$0x3] =	stream.indirect_vreg.gather [hbm4b:s1+s3], $0x80, v4, vm0, $0xb8;
	[tilespmem:$0x12400] =	vst v63  }
0x109: {  	s10 =	simm.s32 $0xCC00  }
0x10a: {  	[tilespmem:s10], [sflag:$0x3] =	stream.indirect_vreg.gather [hbm4b:s6+s3], $0x80, v4, vm0, $0xb8;
	[tilespmem:$0x12400] =	vst v63  }
0x10b: {  	s10 =	simm.s32 $0xD400  }
0x10c: {  	[tilespmem:s10], [sflag:$0x3] =	stream.indirect_vreg.gather [hbm4b:s7+s3], $0x80, v4, vm0, $0xb8;
	[tilespmem:$0x12400] =	vst v63  }
0x10d: {  	s10 =	simm.s32 $0xDC00  }
0x10e: {  	[tilespmem:s10], [sflag:$0x3] =	stream.indirect_vreg.gather [hbm4b:s8+s3], $0x80, v4, vm0, $0xb8;
	[tilespmem:$0x12400] =	vst v63  }
0x10f: {  	_ =	swait.ge [sflag:s0], $0x4000  }
0x110: {  	[sflag:s0] =	ssyncset.done $0x0  }
0x111: {  	[sflag:s0] =	ssyncadd.s32 $0xFFFFC000  }
0x112: {  	v4 =	vld [tilespmem:s4+$0x0];
	_ =	sdelay $0x4  }
0x113: {  	v5 =	vshll.u32 v4, $0x3  }
0x114: {  	v4 =	vand.u32 $0x7, v4;
	v5 =	vand.u32 $0xFFFFFFC0, v5  }
0x115: {  	v4 =	vor.u32 v4, v5  }
0x116: {  	v5 =	vperm.xlane v4, v1;
	_ =	sdelay $0x1  }
0x117: {  	v5 =	vadd.s32 v2, v5;
	_ =	sdelay $0x4  }
0x118: {  	[tilespmem:s14], [sflag:$0x4] =	stream.indirect_vreg.gather [hbm4b:s1+s3], $0x80, v5, vm0, $0xb8;
	[tilespmem:$0x12400] =	vst v63  }
0x119: {  	v4 =	vperm.xlane v4, v3  }
0x11a: {  	[tilespmem:s15], [sflag:$0x4] =	stream.indirect_vreg.gather [hbm4b:s6+s3], $0x80, v5, vm0, $0xb8;
	[tilespmem:$0x12400] =	vst v63  }
0x11b: {  	v4 =	vadd.s32 v2, v4  }
0x11c: {  	[tilespmem:s16], [sflag:$0x4] =	stream.indirect_vreg.gather [hbm4b:s7+s3], $0x80, v5, vm0, $0xb8;
	[tilespmem:$0x12400] =	vst v63  }
0x11d: {  	_ = 	snop  }
0x11e: {  	[tilespmem:s17], [sflag:$0x4] =	stream.indirect_vreg.gather [hbm4b:s8+s3], $0x80, v5, vm0, $0xb8;
	[tilespmem:$0x12400] =	vst v63  }
0x11f: {  	s2 =	sadd.s32 $0x2000, s2  }
0x120: {  	[tilespmem:s18], [sflag:$0x4] =	stream.indirect_vreg.gather [hbm4b:s1+s3], $0x80, v4, vm0, $0xb8;
	[tilespmem:$0x12400] =	vst v63  }
0x121: {  	p1 =	sne.s32 s2, $0x20000  }
0x122: {  	[tilespmem:s19], [sflag:$0x4] =	stream.indirect_vreg.gather [hbm4b:s6+s3], $0x80, v4, vm0, $0xb8;
	[tilespmem:$0x12400] =	vst v63  }
.Ltmp7:
0x123: {  	_ = 	snop;
	(pc) =	sbr.rel @p1 .LBB2_8-.Ltmp7, $4  }
.Ltmp8:
0x124: {  	_ = 	snop;
	(pc) =	sbr.rel @!p1 .LBB2_11-.Ltmp8, $4  }
0x125: {  	[tilespmem:s20], [sflag:$0x4] =	stream.indirect_vreg.gather [hbm4b:s7+s3], $0x80, v4, vm0, $0xb8;
	[tilespmem:$0x12400] =	vst v63  }
0x126: {  	s4 =	sadd.s32 $0x40, s4  }
0x127: {  	[tilespmem:s22], [sflag:$0x4] =	stream.indirect_vreg.gather [hbm4b:s8+s3], $0x80, v4, vm0, $0xb8;
	[tilespmem:$0x12400] =	vst v63  }
0x128: {  	_ = 	snop  }
.LBB2_12:
0x129: {  	_ =	sfence.sel $0x180000  }
0x12a: {  	[bflag:$0x0] =	sbarrier.arrive $0xFFFF  }
0x12b: {  	_ =	strace $0x90000047  }
0x12c: {  	s0 =	stileid.u32;
	[bflag:$0x2] =	sbarrier.arrive $0xFFFF  }
0x12d: {  	p0 =	sne.s32 s0, $0x0;
	s0 =	rddreg [dreg:$0x3]  }
0x12e: {  	s0 =	sadd.s32 @!p0 $0x100000, s0  }
0x12f: {  	[sflag:s0] =	ssyncadd.tile.s32 @!p0 $0x1;
	_ =	shalt  }
.Lfunc_end2:
_tile_overlayer_lowered:
.L_overlay_start_2:
0x130: {  	(tag) =	ssettag $0x2  }
0x131: {  	s0 =	rddreg [dreg:$0x0];
	s2 =	stileid.u32  }
0x132: {  	s1 =	rddreg [dreg:$0x1];
	p0 =	sne.s32 s2, $0x0  }
0x133: {  	s3 =	rddreg [dreg:$0x2];
	[bflag:$0x3] =	sbarrier.arrive $0xFFFF;
	s2 =	simm.s32 @!p0 $0x1C09  }
0x134: {  	[timem:s3], [sflag:s2] =	dma.local @!p0 [hbm:s0], s1  }
0x135: {  	s0 =	simm.s32 @!p0 $0x9  }
0x136: {  	_ =	swait.ge @!p0 [sflag:s0], s1  }
0x137: {  	s1 =	ssub.s32 @!p0 $0x0, s1;
	[sflag:s0] =	ssyncset.done @!p0 $0x0  }
0x138: {  	[sflag:s0] =	ssyncadd.s32 @!p0 s1  }
0x139: {  	[bflag:$0x3] =	sbarrier.arrive $0xFFFF  }
0x13a: {  	_ =	shalt  }

</sc_bundles>
